<compile_context>
chip_gen: v7x
topology: tpu7x:2x2x1
jax: 0.10.2.dev20260603
libtpu: 0.0.44.dev20260713+nightly
codegen_flags: <defaults>
</compile_context>

<pallas_src>
import functools

import jax
import jax.numpy as jnp
from jax import lax
from jax.experimental import pallas as pl
from jax.experimental.pallas import tpu as pltpu
from jax.experimental.pallas import tpu_sc as plsc

NUM_SPEAKERS = 1000
NUM_UTTER = 16384
EMBED_DIM = 128
BATCH = 16384

NC = 2
NS = 16
COLS = EMBED_DIM // NC
ROWS_PER_TILE = NUM_UTTER // NS
CHUNK = 128
NCHUNK = ROWS_PER_TILE // CHUNK
TABLE_ROWS = 1024
ZROWS = TABLE_ROWS // NS


def _sc_body(audio_hbm, init_idx_hbm, q_idx_hbm, out_hbm,
             rowbuf, zbuf, idxbuf, table, sems):
    c = lax.axis_index("c")
    s = lax.axis_index("s")
    c0 = c * COLS
    base = s * ROWS_PER_TILE
    idx_row0 = s * NCHUNK

    idx_cp = pltpu.async_copy(
        init_idx_hbm.at[pl.ds(idx_row0, NCHUNK)],
        idxbuf.at[pl.ds(0, NCHUNK)], sems.at[24])
    idx_cq = pltpu.async_copy(
        q_idx_hbm.at[pl.ds(idx_row0, NCHUNK)],
        idxbuf.at[pl.ds(NCHUNK, NCHUNK)], sems.at[25])
    loads = [
        pltpu.async_copy(
            audio_hbm.at[pl.ds(base + j * CHUNK, CHUNK), pl.ds(c0, COLS)],
            rowbuf.at[pl.ds(j * CHUNK, CHUNK)], sems.at[j])
        for j in range(NCHUNK)
    ]

    zvec = jnp.zeros((16,), jnp.float32)

    def _zero_row(r, _):
        for cc in range(COLS // 16):
            zbuf[r, pl.ds(cc * 16, 16)] = zvec
        return _

    lax.fori_loop(0, ZROWS, _zero_row, 0)
    pltpu.sync_copy(zbuf, table.at[pl.ds(s * ZROWS, ZROWS)])

    idx_cp.wait()
    plsc.subcore_barrier()

    scats = []
    for j in range(NCHUNK):
        loads[j].wait()
        scats.append(pltpu.async_copy(
            rowbuf.at[pl.ds(j * CHUNK, CHUNK)],
            table.at[idxbuf.at[j]], sems.at[16 + j], add=True))
    for cp in scats:
        cp.wait()
    idx_cq.wait()

    plsc.subcore_barrier()

    gathers = [
        pltpu.async_copy(table.at[idxbuf.at[NCHUNK + j]],
                         rowbuf.at[pl.ds(j * CHUNK, CHUNK)], sems.at[8 + j])
        for j in range(NCHUNK)
    ]
    writes = []
    for j in range(NCHUNK):
        gathers[j].wait()
        writes.append(pltpu.async_copy(
            rowbuf.at[pl.ds(j * CHUNK, CHUNK)],
            out_hbm.at[pl.ds(base + j * CHUNK, CHUNK), pl.ds(c0, COLS)],
            sems.at[26]))
    for cp in writes:
        cp.wait()


@jax.jit
def _sc_call(audio, i2d, q2d):
    mesh = plsc.VectorSubcoreMesh(core_axis_name="c", subcore_axis_name="s")
    f = functools.partial(
        pl.kernel,
        mesh=mesh,
        out_type=jax.ShapeDtypeStruct((BATCH, EMBED_DIM), jnp.float32),
        scratch_types=[
            pltpu.VMEM((ROWS_PER_TILE, COLS), jnp.float32),
            pltpu.VMEM((ZROWS, COLS), jnp.float32),
            pltpu.VMEM((2 * NCHUNK, CHUNK), jnp.int32),
            pltpu.VMEM_SHARED((TABLE_ROWS, COLS), jnp.float32),
            pltpu.SemaphoreType.DMA((27,)),
        ],
        compiler_params=pltpu.CompilerParams(use_tc_tiling_on_sc=False),
    )(_sc_body)
    return f(audio, i2d, q2d)


def kernel(speaker_ids, init_speaker_ids, audio_encodings):
    i2d = init_speaker_ids.astype(jnp.int32).reshape(NS * NCHUNK, CHUNK)
    q2d = speaker_ids.astype(jnp.int32).reshape(NS * NCHUNK, CHUNK)
    return _sc_call(audio_encodings, i2d, q2d)

# --- scband reference (transcript-rebuilt; emitter-appended) ---
"""Pipeline reference for scband-speaker-encoder-44521630990361 (READ-ONLY COPY).

The authoritative reference and input builder live on the scoring server;
editing this copy changes nothing except your own understanding.
"""

import jax, jax.numpy as jnp
import numpy as np

NUM_SPEAKERS = 1000
NUM_UTTER = 16384
EMBED_DIM = 128
BATCH = 16384


def setup_inputs(seed: int = 0) -> dict:
    key = jax.random.key(seed)
    k1, k2, k3 = jax.random.split(key, 3)
    # __init__ args: speaker id per utterance, and per-utterance audio encodings
    init_speaker_ids = jax.random.randint(k1, (NUM_UTTER,), 0, NUM_SPEAKERS)
    audio_encodings = jax.random.normal(k2, (NUM_UTTER, EMBED_DIM), dtype=jnp.float32)
    # forward arg: query speaker ids
    speaker_ids = jax.random.randint(k3, (BATCH,), 0, NUM_SPEAKERS)
    return {"speaker_ids": speaker_ids, "init_speaker_ids": init_speaker_ids, "audio_encodings": audio_encodings}


def reference(speaker_ids, init_speaker_ids, audio_encodings):
    # __init__: one-hot speakers over utterances, aggregate encodings per speaker
    one_hot_speakers = jax.nn.one_hot(init_speaker_ids, NUM_SPEAKERS, dtype=audio_encodings.dtype)  # [I, S]
    speaker_encodings = jnp.einsum('is,ie->se', one_hot_speakers, audio_encodings)  # [S, E]
    # forward: embedding-style gather from the speaker table
    return jnp.take(speaker_encodings, speaker_ids, axis=0)

if __name__ == "__main__":
    import jax
    _d = setup_inputs()
    print(jax.jit(kernel)(*tuple(_d.values())))

</pallas_src>

<mosaic_0001>
#map = affine_map<(d0, d1) -> (0, 0)>
module attributes {stable_mosaic.version = 14 : i64} {
  func.func @_sc_body(%arg0: i32, %arg1: i32, %arg2: memref<16384x128xf32, #tpu.memory_space<hbm>>, %arg3: memref<128x128xi32, #tpu.memory_space<hbm>>, %arg4: memref<128x128xi32, #tpu.memory_space<hbm>>, %arg5: memref<16384x128xf32, #tpu.memory_space<hbm>>, %arg6: memref<1024x64xf32, #tpu.memory_space<vmem>>, %arg7: memref<64x64xf32, #tpu.memory_space<vmem>>, %arg8: memref<16x128xi32, #tpu.memory_space<vmem>>, %arg9: memref<1024x64xf32, #tpu.memory_space<vmem_shared>>, %arg10: memref<27x!tpu.dma_semaphore, #tpu.memory_space<semaphore_mem>>) attributes {dimension_semantics = [#tpu.dimension_semantics<core_parallel>, #tpu.dimension_semantics<subcore_parallel>], iteration_bounds = array<i64: 2, 16>, scalar_prefetch = 0 : i64, scratch_operands = 5 : i64, tpu.core_type = #tpu.core_type<sc_vector_subcore>, window_params = [{transform_indices = #map}, {transform_indices = #map}, {transform_indices = #map}, {transform_indices = #map}]} {
    %mul3A = arith.constant 64 : i32
    %mul3A_0 = arith.muli %arg0, %mul3A : i32
    %mul3A_1 = arith.constant 1024 : i32
    %mul3A_2 = arith.muli %arg1, %mul3A_1 : i32
    %mul3A_3 = arith.constant 8 : i32
    %mul3A_4 = arith.muli %arg1, %mul3A_3 : i32
    %dma_start3A = arith.constant 24 : i32
    %dma_start3A_5 = arith.constant 0 : i32
    %dma_start3A_6 = arith.constant 0 : i32
    %dma_start3A_7 = tpu.memref_slice %arg8[%dma_start3A_5, %dma_start3A_6] : memref<16x128xi32, #tpu.memory_space<vmem>> -> memref<8x128xi32, #tpu.memory_space<vmem>>
    %dma_start3A_8 = arith.constant 0 : i32
    %dma_start3A_9 = tpu.memref_slice %arg3[%mul3A_4, %dma_start3A_8] : memref<128x128xi32, #tpu.memory_space<hbm>> -> memref<8x128xi32, #tpu.memory_space<hbm>>
    %dma_start3A_10 = tpu.memref_slice %arg10[%dma_start3A] : memref<27x!tpu.dma_semaphore, #tpu.memory_space<semaphore_mem>> -> memref<1x!tpu.dma_semaphore, #tpu.memory_space<semaphore_mem>>
    %dma_start3A_11 = tpu.memref_squeeze %dma_start3A_10 : memref<1x!tpu.dma_semaphore, #tpu.memory_space<semaphore_mem>> -> memref<!tpu.dma_semaphore, #tpu.memory_space<semaphore_mem>>
    %dma_start3A_12 = arith.constant 0 : i32
    %dma_start3A_13 = arith.constant 0 : i32
    %dma_start3A_14 = tpu.memref_slice %arg8[%dma_start3A_12, %dma_start3A_13] : memref<16x128xi32, #tpu.memory_space<vmem>> -> memref<8x128xi32, #tpu.memory_space<vmem>>
    %dma_start3A_15 = arith.constant 0 : i32
    %dma_start3A_16 = tpu.memref_slice %arg3[%mul3A_4, %dma_start3A_15] : memref<128x128xi32, #tpu.memory_space<hbm>> -> memref<8x128xi32, #tpu.memory_space<hbm>>
    tpu.enqueue_dma source(%dma_start3A_16 : memref<8x128xi32, #tpu.memory_space<hbm>>) target(%dma_start3A_14 : memref<8x128xi32, #tpu.memory_space<vmem>>) target_semaphore(%dma_start3A_11 : memref<!tpu.dma_semaphore, #tpu.memory_space<semaphore_mem>>)
    %dma_start3A_17 = arith.constant 25 : i32
    %dma_start3A_18 = arith.constant 8 : i32
    %dma_start3A_19 = arith.constant 0 : i32
    %dma_start3A_20 = tpu.memref_slice %arg8[%dma_start3A_18, %dma_start3A_19] : memref<16x128xi32, #tpu.memory_space<vmem>> -> memref<8x128xi32, #tpu.memory_space<vmem>>
    %dma_start3A_21 = arith.constant 0 : i32
    %dma_start3A_22 = tpu.memref_slice %arg4[%mul3A_4, %dma_start3A_21] : memref<128x128xi32, #tpu.memory_space<hbm>> -> memref<8x128xi32, #tpu.memory_space<hbm>>
    %dma_start3A_23 = tpu.memref_slice %arg10[%dma_start3A_17] : memref<27x!tpu.dma_semaphore, #tpu.memory_space<semaphore_mem>> -> memref<1x!tpu.dma_semaphore, #tpu.memory_space<semaphore_mem>>
    %dma_start3A_24 = tpu.memref_squeeze %dma_start3A_23 : memref<1x!tpu.dma_semaphore, #tpu.memory_space<semaphore_mem>> -> memref<!tpu.dma_semaphore, #tpu.memory_space<semaphore_mem>>
    %dma_start3A_25 = arith.constant 8 : i32
    %dma_start3A_26 = arith.constant 0 : i32
    %dma_start3A_27 = tpu.memref_slice %arg8[%dma_start3A_25, %dma_start3A_26] : memref<16x128xi32, #tpu.memory_space<vmem>> -> memref<8x128xi32, #tpu.memory_space<vmem>>
    %dma_start3A_28 = arith.constant 0 : i32
    %dma_start3A_29 = tpu.memref_slice %arg4[%mul3A_4, %dma_start3A_28] : memref<128x128xi32, #tpu.memory_space<hbm>> -> memref<8x128xi32, #tpu.memory_space<hbm>>
    tpu.enqueue_dma source(%dma_start3A_29 : memref<8x128xi32, #tpu.memory_space<hbm>>) target(%dma_start3A_27 : memref<8x128xi32, #tpu.memory_space<vmem>>) target_semaphore(%dma_start3A_24 : memref<!tpu.dma_semaphore, #tpu.memory_space<semaphore_mem>>)
    %add3A = arith.constant 0 : i32
    %add3A_30 = arith.addi %mul3A_2, %add3A : i32
    %dma_start3A_31 = arith.constant 0 : i32
    %dma_start3A_32 = arith.constant 0 : i32
    %dma_start3A_33 = arith.constant 0 : i32
    %dma_start3A_34 = tpu.memref_slice %arg6[%dma_start3A_32, %dma_start3A_33] : memref<1024x64xf32, #tpu.memory_space<vmem>> -> memref<128x64xf32, #tpu.memory_space<vmem>>
    %dma_start3A_35 = tpu.memref_slice %arg2[%add3A_30, %mul3A_0] : memref<16384x128xf32, #tpu.memory_space<hbm>> -> memref<128x64xf32, #tpu.memory_space<hbm>>
    %dma_start3A_36 = tpu.memref_slice %arg10[%dma_start3A_31] : memref<27x!tpu.dma_semaphore, #tpu.memory_space<semaphore_mem>> -> memref<1x!tpu.dma_semaphore, #tpu.memory_space<semaphore_mem>>
    %dma_start3A_37 = tpu.memref_squeeze %dma_start3A_36 : memref<1x!tpu.dma_semaphore, #tpu.memory_space<semaphore_mem>> -> memref<!tpu.dma_semaphore, #tpu.memory_space<semaphore_mem>>
    %dma_start3A_38 = arith.constant 0 : i32
    %dma_start3A_39 = arith.constant 0 : i32
    %dma_start3A_40 = tpu.memref_slice %arg6[%dma_start3A_38, %dma_start3A_39] : memref<1024x64xf32, #tpu.memory_space<vmem>> -> memref<128x64xf32, #tpu.memory_space<vmem>>
    %dma_start3A_41 = tpu.memref_slice %arg2[%add3A_30, %mul3A_0] : memref<16384x128xf32, #tpu.memory_space<hbm>> -> memref<128x64xf32, #tpu.memory_space<hbm>>
    tpu.enqueue_dma source(%dma_start3A_41 : memref<128x64xf32, #tpu.memory_space<hbm>>) target(%dma_start3A_40 : memref<128x64xf32, #tpu.memory_space<vmem>>) target_semaphore(%dma_start3A_37 : memref<!tpu.dma_semaphore, #tpu.memory_space<semaphore_mem>>)
    %add3A_42 = arith.constant 128 : i32
    %add3A_43 = arith.addi %mul3A_2, %add3A_42 : i32
    %dma_start3A_44 = arith.constant 1 : i32
    %dma_start3A_45 = arith.constant 128 : i32
    %dma_start3A_46 = arith.constant 0 : i32
    %dma_start3A_47 = tpu.memref_slice %arg6[%dma_start3A_45, %dma_start3A_46] : memref<1024x64xf32, #tpu.memory_space<vmem>> -> memref<128x64xf32, #tpu.memory_space<vmem>>
    %dma_start3A_48 = tpu.memref_slice %arg2[%add3A_43, %mul3A_0] : memref<16384x128xf32, #tpu.memory_space<hbm>> -> memref<128x64xf32, #tpu.memory_space<hbm>>
    %dma_start3A_49 = tpu.memref_slice %arg10[%dma_start3A_44] : memref<27x!tpu.dma_semaphore, #tpu.memory_space<semaphore_mem>> -> memref<1x!tpu.dma_semaphore, #tpu.memory_space<semaphore_mem>>
    %dma_start3A_50 = tpu.memref_squeeze %dma_start3A_49 : memref<1x!tpu.dma_semaphore, #tpu.memory_space<semaphore_mem>> -> memref<!tpu.dma_semaphore, #tpu.memory_space<semaphore_mem>>
    %dma_start3A_51 = arith.constant 128 : i32
    %dma_start3A_52 = arith.constant 0 : i32
    %dma_start3A_53 = tpu.memref_slice %arg6[%dma_start3A_51, %dma_start3A_52] : memref<1024x64xf32, #tpu.memory_space<vmem>> -> memref<128x64xf32, #tpu.memory_space<vmem>>
    %dma_start3A_54 = tpu.memref_slice %arg2[%add3A_43, %mul3A_0] : memref<16384x128xf32, #tpu.memory_space<hbm>> -> memref<128x64xf32, #tpu.memory_space<hbm>>
    tpu.enqueue_dma source(%dma_start3A_54 : memref<128x64xf32, #tpu.memory_space<hbm>>) target(%dma_start3A_53 : memref<128x64xf32, #tpu.memory_space<vmem>>) target_semaphore(%dma_start3A_50 : memref<!tpu.dma_semaphore, #tpu.memory_space<semaphore_mem>>)
    %add3A_55 = arith.constant 256 : i32
    %add3A_56 = arith.addi %mul3A_2, %add3A_55 : i32
    %dma_start3A_57 = arith.constant 2 : i32
    %dma_start3A_58 = arith.constant 256 : i32
    %dma_start3A_59 = arith.constant 0 : i32
    %dma_start3A_60 = tpu.memref_slice %arg6[%dma_start3A_58, %dma_start3A_59] : memref<1024x64xf32, #tpu.memory_space<vmem>> -> memref<128x64xf32, #tpu.memory_space<vmem>>
    %dma_start3A_61 = tpu.memref_slice %arg2[%add3A_56, %mul3A_0] : memref<16384x128xf32, #tpu.memory_space<hbm>> -> memref<128x64xf32, #tpu.memory_space<hbm>>
    %dma_start3A_62 = tpu.memref_slice %arg10[%dma_start3A_57] : memref<27x!tpu.dma_semaphore, #tpu.memory_space<semaphore_mem>> -> memref<1x!tpu.dma_semaphore, #tpu.memory_space<semaphore_mem>>
    %dma_start3A_63 = tpu.memref_squeeze %dma_start3A_62 : memref<1x!tpu.dma_semaphore, #tpu.memory_space<semaphore_mem>> -> memref<!tpu.dma_semaphore, #tpu.memory_space<semaphore_mem>>
    %dma_start3A_64 = arith.constant 256 : i32
    %dma_start3A_65 = arith.constant 0 : i32
    %dma_start3A_66 = tpu.memref_slice %arg6[%dma_start3A_64, %dma_start3A_65] : memref<1024x64xf32, #tpu.memory_space<vmem>> -> memref<128x64xf32, #tpu.memory_space<vmem>>
    %dma_start3A_67 = tpu.memref_slice %arg2[%add3A_56, %mul3A_0] : memref<16384x128xf32, #tpu.memory_space<hbm>> -> memref<128x64xf32, #tpu.memory_space<hbm>>
    tpu.enqueue_dma source(%dma_start3A_67 : memref<128x64xf32, #tpu.memory_space<hbm>>) target(%dma_start3A_66 : memref<128x64xf32, #tpu.memory_space<vmem>>) target_semaphore(%dma_start3A_63 : memref<!tpu.dma_semaphore, #tpu.memory_space<semaphore_mem>>)
    %add3A_68 = arith.constant 384 : i32
    %add3A_69 = arith.addi %mul3A_2, %add3A_68 : i32
    %dma_start3A_70 = arith.constant 3 : i32
    %dma_start3A_71 = arith.constant 384 : i32
    %dma_start3A_72 = arith.constant 0 : i32
    %dma_start3A_73 = tpu.memref_slice %arg6[%dma_start3A_71, %dma_start3A_72] : memref<1024x64xf32, #tpu.memory_space<vmem>> -> memref<128x64xf32, #tpu.memory_space<vmem>>
    %dma_start3A_74 = tpu.memref_slice %arg2[%add3A_69, %mul3A_0] : memref<16384x128xf32, #tpu.memory_space<hbm>> -> memref<128x64xf32, #tpu.memory_space<hbm>>
    %dma_start3A_75 = tpu.memref_slice %arg10[%dma_start3A_70] : memref<27x!tpu.dma_semaphore, #tpu.memory_space<semaphore_mem>> -> memref<1x!tpu.dma_semaphore, #tpu.memory_space<semaphore_mem>>
    %dma_start3A_76 = tpu.memref_squeeze %dma_start3A_75 : memref<1x!tpu.dma_semaphore, #tpu.memory_space<semaphore_mem>> -> memref<!tpu.dma_semaphore, #tpu.memory_space<semaphore_mem>>
    %dma_start3A_77 = arith.constant 384 : i32
    %dma_start3A_78 = arith.constant 0 : i32
    %dma_start3A_79 = tpu.memref_slice %arg6[%dma_start3A_77, %dma_start3A_78] : memref<1024x64xf32, #tpu.memory_space<vmem>> -> memref<128x64xf32, #tpu.memory_space<vmem>>
    %dma_start3A_80 = tpu.memref_slice %arg2[%add3A_69, %mul3A_0] : memref<16384x128xf32, #tpu.memory_space<hbm>> -> memref<128x64xf32, #tpu.memory_space<hbm>>
    tpu.enqueue_dma source(%dma_start3A_80 : memref<128x64xf32, #tpu.memory_space<hbm>>) target(%dma_start3A_79 : memref<128x64xf32, #tpu.memory_space<vmem>>) target_semaphore(%dma_start3A_76 : memref<!tpu.dma_semaphore, #tpu.memory_space<semaphore_mem>>)
    %add3A_81 = arith.constant 512 : i32
    %add3A_82 = arith.addi %mul3A_2, %add3A_81 : i32
    %dma_start3A_83 = arith.constant 4 : i32
    %dma_start3A_84 = arith.constant 512 : i32
    %dma_start3A_85 = arith.constant 0 : i32
    %dma_start3A_86 = tpu.memref_slice %arg6[%dma_start3A_84, %dma_start3A_85] : memref<1024x64xf32, #tpu.memory_space<vmem>> -> memref<128x64xf32, #tpu.memory_space<vmem>>
    %dma_start3A_87 = tpu.memref_slice %arg2[%add3A_82, %mul3A_0] : memref<16384x128xf32, #tpu.memory_space<hbm>> -> memref<128x64xf32, #tpu.memory_space<hbm>>
    %dma_start3A_88 = tpu.memref_slice %arg10[%dma_start3A_83] : memref<27x!tpu.dma_semaphore, #tpu.memory_space<semaphore_mem>> -> memref<1x!tpu.dma_semaphore, #tpu.memory_space<semaphore_mem>>
    %dma_start3A_89 = tpu.memref_squeeze %dma_start3A_88 : memref<1x!tpu.dma_semaphore, #tpu.memory_space<semaphore_mem>> -> memref<!tpu.dma_semaphore, #tpu.memory_space<semaphore_mem>>
    %dma_start3A_90 = arith.constant 512 : i32
    %dma_start3A_91 = arith.constant 0 : i32
    %dma_start3A_92 = tpu.memref_slice %arg6[%dma_start3A_90, %dma_start3A_91] : memref<1024x64xf32, #tpu.memory_space<vmem>> -> memref<128x64xf32, #tpu.memory_space<vmem>>
    %dma_start3A_93 = tpu.memref_slice %arg2[%add3A_82, %mul3A_0] : memref<16384x128xf32, #tpu.memory_space<hbm>> -> memref<128x64xf32, #tpu.memory_space<hbm>>
    tpu.enqueue_dma source(%dma_start3A_93 : memref<128x64xf32, #tpu.memory_space<hbm>>) target(%dma_start3A_92 : memref<128x64xf32, #tpu.memory_space<vmem>>) target_semaphore(%dma_start3A_89 : memref<!tpu.dma_semaphore, #tpu.memory_space<semaphore_mem>>)
    %add3A_94 = arith.constant 640 : i32
    %add3A_95 = arith.addi %mul3A_2, %add3A_94 : i32
    %dma_start3A_96 = arith.constant 5 : i32
    %dma_start3A_97 = arith.constant 640 : i32
    %dma_start3A_98 = arith.constant 0 : i32
    %dma_start3A_99 = tpu.memref_slice %arg6[%dma_start3A_97, %dma_start3A_98] : memref<1024x64xf32, #tpu.memory_space<vmem>> -> memref<128x64xf32, #tpu.memory_space<vmem>>
    %dma_start3A_100 = tpu.memref_slice %arg2[%add3A_95, %mul3A_0] : memref<16384x128xf32, #tpu.memory_space<hbm>> -> memref<128x64xf32, #tpu.memory_space<hbm>>
    %dma_start3A_101 = tpu.memref_slice %arg10[%dma_start3A_96] : memref<27x!tpu.dma_semaphore, #tpu.memory_space<semaphore_mem>> -> memref<1x!tpu.dma_semaphore, #tpu.memory_space<semaphore_mem>>
    %dma_start3A_102 = tpu.memref_squeeze %dma_start3A_101 : memref<1x!tpu.dma_semaphore, #tpu.memory_space<semaphore_mem>> -> memref<!tpu.dma_semaphore, #tpu.memory_space<semaphore_mem>>
    %dma_start3A_103 = arith.constant 640 : i32
    %dma_start3A_104 = arith.constant 0 : i32
    %dma_start3A_105 = tpu.memref_slice %arg6[%dma_start3A_103, %dma_start3A_104] : memref<1024x64xf32, #tpu.memory_space<vmem>> -> memref<128x64xf32, #tpu.memory_space<vmem>>
    %dma_start3A_106 = tpu.memref_slice %arg2[%add3A_95, %mul3A_0] : memref<16384x128xf32, #tpu.memory_space<hbm>> -> memref<128x64xf32, #tpu.memory_space<hbm>>
    tpu.enqueue_dma source(%dma_start3A_106 : memref<128x64xf32, #tpu.memory_space<hbm>>) target(%dma_start3A_105 : memref<128x64xf32, #tpu.memory_space<vmem>>) target_semaphore(%dma_start3A_102 : memref<!tpu.dma_semaphore, #tpu.memory_space<semaphore_mem>>)
    %add3A_107 = arith.constant 768 : i32
    %add3A_108 = arith.addi %mul3A_2, %add3A_107 : i32
    %dma_start3A_109 = arith.constant 6 : i32
    %dma_start3A_110 = arith.constant 768 : i32
    %dma_start3A_111 = arith.constant 0 : i32
    %dma_start3A_112 = tpu.memref_slice %arg6[%dma_start3A_110, %dma_start3A_111] : memref<1024x64xf32, #tpu.memory_space<vmem>> -> memref<128x64xf32, #tpu.memory_space<vmem>>
    %dma_start3A_113 = tpu.memref_slice %arg2[%add3A_108, %mul3A_0] : memref<16384x128xf32, #tpu.memory_space<hbm>> -> memref<128x64xf32, #tpu.memory_space<hbm>>
    %dma_start3A_114 = tpu.memref_slice %arg10[%dma_start3A_109] : memref<27x!tpu.dma_semaphore, #tpu.memory_space<semaphore_mem>> -> memref<1x!tpu.dma_semaphore, #tpu.memory_space<semaphore_mem>>
    %dma_start3A_115 = tpu.memref_squeeze %dma_start3A_114 : memref<1x!tpu.dma_semaphore, #tpu.memory_space<semaphore_mem>> -> memref<!tpu.dma_semaphore, #tpu.memory_space<semaphore_mem>>
    %dma_start3A_116 = arith.constant 768 : i32
    %dma_start3A_117 = arith.constant 0 : i32
    %dma_start3A_118 = tpu.memref_slice %arg6[%dma_start3A_116, %dma_start3A_117] : memref<1024x64xf32, #tpu.memory_space<vmem>> -> memref<128x64xf32, #tpu.memory_space<vmem>>
    %dma_start3A_119 = tpu.memref_slice %arg2[%add3A_108, %mul3A_0] : memref<16384x128xf32, #tpu.memory_space<hbm>> -> memref<128x64xf32, #tpu.memory_space<hbm>>
    tpu.enqueue_dma source(%dma_start3A_119 : memref<128x64xf32, #tpu.memory_space<hbm>>) target(%dma_start3A_118 : memref<128x64xf32, #tpu.memory_space<vmem>>) target_semaphore(%dma_start3A_115 : memref<!tpu.dma_semaphore, #tpu.memory_space<semaphore_mem>>)
    %add3A_120 = arith.constant 896 : i32
    %add3A_121 = arith.addi %mul3A_2, %add3A_120 : i32
    %dma_start3A_122 = arith.constant 7 : i32
    %dma_start3A_123 = arith.constant 896 : i32
    %dma_start3A_124 = arith.constant 0 : i32
    %dma_start3A_125 = tpu.memref_slice %arg6[%dma_start3A_123, %dma_start3A_124] : memref<1024x64xf32, #tpu.memory_space<vmem>> -> memref<128x64xf32, #tpu.memory_space<vmem>>
    %dma_start3A_126 = tpu.memref_slice %arg2[%add3A_121, %mul3A_0] : memref<16384x128xf32, #tpu.memory_space<hbm>> -> memref<128x64xf32, #tpu.memory_space<hbm>>
    %dma_start3A_127 = tpu.memref_slice %arg10[%dma_start3A_122] : memref<27x!tpu.dma_semaphore, #tpu.memory_space<semaphore_mem>> -> memref<1x!tpu.dma_semaphore, #tpu.memory_space<semaphore_mem>>
    %dma_start3A_128 = tpu.memref_squeeze %dma_start3A_127 : memref<1x!tpu.dma_semaphore, #tpu.memory_space<semaphore_mem>> -> memref<!tpu.dma_semaphore, #tpu.memory_space<semaphore_mem>>
    %dma_start3A_129 = arith.constant 896 : i32
    %dma_start3A_130 = arith.constant 0 : i32
    %dma_start3A_131 = tpu.memref_slice %arg6[%dma_start3A_129, %dma_start3A_130] : memref<1024x64xf32, #tpu.memory_space<vmem>> -> memref<128x64xf32, #tpu.memory_space<vmem>>
    %dma_start3A_132 = tpu.memref_slice %arg2[%add3A_121, %mul3A_0] : memref<16384x128xf32, #tpu.memory_space<hbm>> -> memref<128x64xf32, #tpu.memory_space<hbm>>
    tpu.enqueue_dma source(%dma_start3A_132 : memref<128x64xf32, #tpu.memory_space<hbm>>) target(%dma_start3A_131 : memref<128x64xf32, #tpu.memory_space<vmem>>) target_semaphore(%dma_start3A_128 : memref<!tpu.dma_semaphore, #tpu.memory_space<semaphore_mem>>)
    %broadcast_in_dim3A = arith.constant 0.000000e+00 : f32
    %broadcast_in_dim3A_133 = vector.broadcast %broadcast_in_dim3A : f32 to vector<16xf32>
    %scan3A = arith.constant 0 : i32
    %scan3A_134 = arith.constant 0 : i32
    %scan3A_135 = arith.constant 64 : i32
    %scan3A_136 = arith.addi %scan3A_134, %scan3A_135 : i32
    %scan3A_137 = arith.constant 1 : i32
    scf.for %scan3A_863 = %scan3A_134 to %scan3A_136 step %scan3A_137  : i32 {
      %swap3A = arith.index_cast %scan3A_863 : i32 to index
      %swap3A_864 = arith.constant 0 : index
      %swap3A_865 = tpu.vector_load %arg7[%swap3A, %swap3A_864] {strides = array<i32>} : memref<64x64xf32, #tpu.memory_space<vmem>>, vector<1x16xf32>,
      %swap3A_866 = vector.shape_cast %swap3A_865 : vector<1x16xf32> to vector<16xf32>
      %swap3A_867 = vector.shape_cast %broadcast_in_dim3A_133 : vector<16xf32> to vector<1x16xf32>
      tpu.vector_store %arg7[%swap3A, %swap3A_864], %swap3A_867 {strides = array<i32>} : memref<64x64xf32, #tpu.memory_space<vmem>>, vector<1x16xf32>,
      %swap3A_868 = arith.index_cast %scan3A_863 : i32 to index
      %swap3A_869 = arith.constant 16 : index
      %swap3A_870 = tpu.vector_load %arg7[%swap3A_868, %swap3A_869] {strides = array<i32>} : memref<64x64xf32, #tpu.memory_space<vmem>>, vector<1x16xf32>,
      %swap3A_871 = vector.shape_cast %swap3A_870 : vector<1x16xf32> to vector<16xf32>
      %swap3A_872 = vector.shape_cast %broadcast_in_dim3A_133 : vector<16xf32> to vector<1x16xf32>
      tpu.vector_store %arg7[%swap3A_868, %swap3A_869], %swap3A_872 {strides = array<i32>} : memref<64x64xf32, #tpu.memory_space<vmem>>, vector<1x16xf32>,
      %swap3A_873 = arith.index_cast %scan3A_863 : i32 to index
      %swap3A_874 = arith.constant 32 : index
      %swap3A_875 = tpu.vector_load %arg7[%swap3A_873, %swap3A_874] {strides = array<i32>} : memref<64x64xf32, #tpu.memory_space<vmem>>, vector<1x16xf32>,
      %swap3A_876 = vector.shape_cast %swap3A_875 : vector<1x16xf32> to vector<16xf32>
      %swap3A_877 = vector.shape_cast %broadcast_in_dim3A_133 : vector<16xf32> to vector<1x16xf32>
      tpu.vector_store %arg7[%swap3A_873, %swap3A_874], %swap3A_877 {strides = array<i32>} : memref<64x64xf32, #tpu.memory_space<vmem>>, vector<1x16xf32>,
      %swap3A_878 = arith.index_cast %scan3A_863 : i32 to index
      %swap3A_879 = arith.constant 48 : index
      %swap3A_880 = tpu.vector_load %arg7[%swap3A_878, %swap3A_879] {strides = array<i32>} : memref<64x64xf32, #tpu.memory_space<vmem>>, vector<1x16xf32>,
      %swap3A_881 = vector.shape_cast %swap3A_880 : vector<1x16xf32> to vector<16xf32>
      %swap3A_882 = vector.shape_cast %broadcast_in_dim3A_133 : vector<16xf32> to vector<1x16xf32>
      tpu.vector_store %arg7[%swap3A_878, %swap3A_879], %swap3A_882 {strides = array<i32>} : memref<64x64xf32, #tpu.memory_space<vmem>>, vector<1x16xf32>,
    }
    %scan3A_138 = arith.constant 64 : i32
    %mul3A_139 = arith.constant 64 : i32
    %mul3A_140 = arith.muli %arg1, %mul3A_139 : i32
    "tpu.region"() ({
      %run_scoped3A = tpu.sem_alloc : memref<!tpu.dma_semaphore, #tpu.memory_space<semaphore_mem>>
      %dma_start3A_863 = arith.constant 0 : i32
      %dma_start3A_864 = tpu.memref_slice %arg9[%mul3A_140, %dma_start3A_863] : memref<1024x64xf32, #tpu.memory_space<vmem_shared>> -> memref<64x64xf32, #tpu.memory_space<vmem_shared>>
      %dma_start3A_865 = arith.constant 0 : i32
      %dma_start3A_866 = tpu.memref_slice %arg9[%mul3A_140, %dma_start3A_865] : memref<1024x64xf32, #tpu.memory_space<vmem_shared>> -> memref<64x64xf32, #tpu.memory_space<vmem_shared>>
      tpu.enqueue_dma source(%arg7 : memref<64x64xf32, #tpu.memory_space<vmem>>) target(%dma_start3A_866 : memref<64x64xf32, #tpu.memory_space<vmem_shared>>) target_semaphore(%run_scoped3A : memref<!tpu.dma_semaphore, #tpu.memory_space<semaphore_mem>>)
      %dma_wait3A_867 = arith.constant 0 : i32
      %dma_wait3A_868 = tpu.memref_slice %arg9[%mul3A_140, %dma_wait3A_867] : memref<1024x64xf32, #tpu.memory_space<vmem_shared>> -> memref<64x64xf32, #tpu.memory_space<vmem_shared>>
      %dma_wait3A_869 = arith.constant 0 : i32
      %dma_wait3A_870 = tpu.memref_slice %arg9[%mul3A_140, %dma_wait3A_869] : memref<1024x64xf32, #tpu.memory_space<vmem_shared>> -> memref<64x64xf32, #tpu.memory_space<vmem_shared>>
      tpu.wait_dma2 semaphore(%run_scoped3A : memref<!tpu.dma_semaphore, #tpu.memory_space<semaphore_mem>>) src(%arg7 : memref<64x64xf32, #tpu.memory_space<vmem>>) dst(%dma_wait3A_870 : memref<64x64xf32, #tpu.memory_space<vmem_shared>>)
      tpu.yield
    }) : () -> ()
    %dma_wait3A = arith.constant 24 : i32
    %dma_wait3A_141 = arith.constant 0 : i32
    %dma_wait3A_142 = arith.constant 0 : i32
    %dma_wait3A_143 = tpu.memref_slice %arg8[%dma_wait3A_141, %dma_wait3A_142] : memref<16x128xi32, #tpu.memory_space<vmem>> -> memref<8x128xi32, #tpu.memory_space<vmem>>
    %dma_wait3A_144 = arith.constant 0 : i32
    %dma_wait3A_145 = tpu.memref_slice %arg3[%mul3A_4, %dma_wait3A_144] : memref<128x128xi32, #tpu.memory_space<hbm>> -> memref<8x128xi32, #tpu.memory_space<hbm>>
    %dma_wait3A_146 = tpu.memref_slice %arg10[%dma_wait3A] : memref<27x!tpu.dma_semaphore, #tpu.memory_space<semaphore_mem>> -> memref<1x!tpu.dma_semaphore, #tpu.memory_space<semaphore_mem>>
    %dma_wait3A_147 = tpu.memref_squeeze %dma_wait3A_146 : memref<1x!tpu.dma_semaphore, #tpu.memory_space<semaphore_mem>> -> memref<!tpu.dma_semaphore, #tpu.memory_space<semaphore_mem>>
    %dma_wait3A_148 = arith.constant 0 : i32
    %dma_wait3A_149 = arith.constant 0 : i32
    %dma_wait3A_150 = tpu.memref_slice %arg8[%dma_wait3A_148, %dma_wait3A_149] : memref<16x128xi32, #tpu.memory_space<vmem>> -> memref<8x128xi32, #tpu.memory_space<vmem>>
    %dma_wait3A_151 = arith.constant 0 : i32
    %dma_wait3A_152 = tpu.memref_slice %arg3[%mul3A_4, %dma_wait3A_151] : memref<128x128xi32, #tpu.memory_space<hbm>> -> memref<8x128xi32, #tpu.memory_space<hbm>>
    tpu.wait_dma2 semaphore(%dma_wait3A_147 : memref<!tpu.dma_semaphore, #tpu.memory_space<semaphore_mem>>) src(%dma_wait3A_152 : memref<8x128xi32, #tpu.memory_space<hbm>>) dst(%dma_wait3A_150 : memref<8x128xi32, #tpu.memory_space<vmem>>)
    %barrier3A = arith.constant 0 : index
    tpu.barrier barrier_id(%barrier3A)
    %dma_wait3A_153 = arith.constant 0 : i32
    %dma_wait3A_154 = arith.constant 0 : i32
    %dma_wait3A_155 = arith.constant 0 : i32
    %dma_wait3A_156 = tpu.memref_slice %arg6[%dma_wait3A_154, %dma_wait3A_155] : memref<1024x64xf32, #tpu.memory_space<vmem>> -> memref<128x64xf32, #tpu.memory_space<vmem>>
    %dma_wait3A_157 = tpu.memref_slice %arg2[%add3A_30, %mul3A_0] : memref<16384x128xf32, #tpu.memory_space<hbm>> -> memref<128x64xf32, #tpu.memory_space<hbm>>
    %dma_wait3A_158 = tpu.memref_slice %arg10[%dma_wait3A_153] : memref<27x!tpu.dma_semaphore, #tpu.memory_space<semaphore_mem>> -> memref<1x!tpu.dma_semaphore, #tpu.memory_space<semaphore_mem>>
    %dma_wait3A_159 = tpu.memref_squeeze %dma_wait3A_158 : memref<1x!tpu.dma_semaphore, #tpu.memory_space<semaphore_mem>> -> memref<!tpu.dma_semaphore, #tpu.memory_space<semaphore_mem>>
    %dma_wait3A_160 = arith.constant 0 : i32
    %dma_wait3A_161 = arith.constant 0 : i32
    %dma_wait3A_162 = tpu.memref_slice %arg6[%dma_wait3A_160, %dma_wait3A_161] : memref<1024x64xf32, #tpu.memory_space<vmem>> -> memref<128x64xf32, #tpu.memory_space<vmem>>
    %dma_wait3A_163 = tpu.memref_slice %arg2[%add3A_30, %mul3A_0] : memref<16384x128xf32, #tpu.memory_space<hbm>> -> memref<128x64xf32, #tpu.memory_space<hbm>>
    tpu.wait_dma2 semaphore(%dma_wait3A_159 : memref<!tpu.dma_semaphore, #tpu.memory_space<semaphore_mem>>) src(%dma_wait3A_163 : memref<128x64xf32, #tpu.memory_space<hbm>>) dst(%dma_wait3A_162 : memref<128x64xf32, #tpu.memory_space<vmem>>)
    %dma_start3A_164 = arith.constant 0 : i32
    %dma_start3A_165 = arith.constant 16 : i32
    %dma_start3A_166 = arith.constant 0 : i32
    %dma_start3A_167 = arith.constant 0 : i32
    %dma_start3A_168 = tpu.memref_slice %arg6[%dma_start3A_166, %dma_start3A_167] : memref<1024x64xf32, #tpu.memory_space<vmem>> -> memref<128x64xf32, #tpu.memory_space<vmem>>
    %dma_start3A_169 = arith.constant 0 : i32
    %dma_start3A_170 = tpu.memref_slice %arg8[%dma_start3A_164, %dma_start3A_169] : memref<16x128xi32, #tpu.memory_space<vmem>> -> memref<1x128xi32, #tpu.memory_space<vmem>>
    %dma_start3A_171 = tpu.memref_squeeze %dma_start3A_170 : memref<1x128xi32, #tpu.memory_space<vmem>> -> memref<128xi32, #tpu.memory_space<vmem>>
    %dma_start3A_172 = arith.constant 0 : i32
    %dma_start3A_173 = arith.constant 0 : i32
    %dma_start3A_174 = tpu.memref_slice %arg9[%dma_start3A_172, %dma_start3A_173] : memref<1024x64xf32, #tpu.memory_space<vmem_shared>> -> memref<1024x64xf32, #tpu.memory_space<vmem_shared>>
    %dma_start3A_175 = tpu.memref_slice %arg10[%dma_start3A_165] : memref<27x!tpu.dma_semaphore, #tpu.memory_space<semaphore_mem>> -> memref<1x!tpu.dma_semaphore, #tpu.memory_space<semaphore_mem>>
    %dma_start3A_176 = tpu.memref_squeeze %dma_start3A_175 : memref<1x!tpu.dma_semaphore, #tpu.memory_space<semaphore_mem>> -> memref<!tpu.dma_semaphore, #tpu.memory_space<semaphore_mem>>
    tpu.enqueue_indirect_dma source(%dma_start3A_168 : memref<128x64xf32, #tpu.memory_space<vmem>>) target(%dma_start3A_174 : memref<1024x64xf32, #tpu.memory_space<vmem_shared>>) offsets(%dma_start3A_171 : memref<128xi32, #tpu.memory_space<vmem>>) semaphore(%dma_start3A_176 : memref<!tpu.dma_semaphore, #tpu.memory_space<semaphore_mem>>) {add = true}
    %dma_wait3A_177 = arith.constant 1 : i32
    %dma_wait3A_178 = arith.constant 128 : i32
    %dma_wait3A_179 = arith.constant 0 : i32
    %dma_wait3A_180 = tpu.memref_slice %arg6[%dma_wait3A_178, %dma_wait3A_179] : memref<1024x64xf32, #tpu.memory_space<vmem>> -> memref<128x64xf32, #tpu.memory_space<vmem>>
    %dma_wait3A_181 = tpu.memref_slice %arg2[%add3A_43, %mul3A_0] : memref<16384x128xf32, #tpu.memory_space<hbm>> -> memref<128x64xf32, #tpu.memory_space<hbm>>
    %dma_wait3A_182 = tpu.memref_slice %arg10[%dma_wait3A_177] : memref<27x!tpu.dma_semaphore, #tpu.memory_space<semaphore_mem>> -> memref<1x!tpu.dma_semaphore, #tpu.memory_space<semaphore_mem>>
    %dma_wait3A_183 = tpu.memref_squeeze %dma_wait3A_182 : memref<1x!tpu.dma_semaphore, #tpu.memory_space<semaphore_mem>> -> memref<!tpu.dma_semaphore, #tpu.memory_space<semaphore_mem>>
    %dma_wait3A_184 = arith.constant 128 : i32
    %dma_wait3A_185 = arith.constant 0 : i32
    %dma_wait3A_186 = tpu.memref_slice %arg6[%dma_wait3A_184, %dma_wait3A_185] : memref<1024x64xf32, #tpu.memory_space<vmem>> -> memref<128x64xf32, #tpu.memory_space<vmem>>
    %dma_wait3A_187 = tpu.memref_slice %arg2[%add3A_43, %mul3A_0] : memref<16384x128xf32, #tpu.memory_space<hbm>> -> memref<128x64xf32, #tpu.memory_space<hbm>>
    tpu.wait_dma2 semaphore(%dma_wait3A_183 : memref<!tpu.dma_semaphore, #tpu.memory_space<semaphore_mem>>) src(%dma_wait3A_187 : memref<128x64xf32, #tpu.memory_space<hbm>>) dst(%dma_wait3A_186 : memref<128x64xf32, #tpu.memory_space<vmem>>)
    %dma_start3A_188 = arith.constant 1 : i32
    %dma_start3A_189 = arith.constant 17 : i32
    %dma_start3A_190 = arith.constant 128 : i32
    %dma_start3A_191 = arith.constant 0 : i32
    %dma_start3A_192 = tpu.memref_slice %arg6[%dma_start3A_190, %dma_start3A_191] : memref<1024x64xf32, #tpu.memory_space<vmem>> -> memref<128x64xf32, #tpu.memory_space<vmem>>
    %dma_start3A_193 = arith.constant 0 : i32
    %dma_start3A_194 = tpu.memref_slice %arg8[%dma_start3A_188, %dma_start3A_193] : memref<16x128xi32, #tpu.memory_space<vmem>> -> memref<1x128xi32, #tpu.memory_space<vmem>>
    %dma_start3A_195 = tpu.memref_squeeze %dma_start3A_194 : memref<1x128xi32, #tpu.memory_space<vmem>> -> memref<128xi32, #tpu.memory_space<vmem>>
    %dma_start3A_196 = arith.constant 0 : i32
    %dma_start3A_197 = arith.constant 0 : i32
    %dma_start3A_198 = tpu.memref_slice %arg9[%dma_start3A_196, %dma_start3A_197] : memref<1024x64xf32, #tpu.memory_space<vmem_shared>> -> memref<1024x64xf32, #tpu.memory_space<vmem_shared>>
    %dma_start3A_199 = tpu.memref_slice %arg10[%dma_start3A_189] : memref<27x!tpu.dma_semaphore, #tpu.memory_space<semaphore_mem>> -> memref<1x!tpu.dma_semaphore, #tpu.memory_space<semaphore_mem>>
    %dma_start3A_200 = tpu.memref_squeeze %dma_start3A_199 : memref<1x!tpu.dma_semaphore, #tpu.memory_space<semaphore_mem>> -> memref<!tpu.dma_semaphore, #tpu.memory_space<semaphore_mem>>
    tpu.enqueue_indirect_dma source(%dma_start3A_192 : memref<128x64xf32, #tpu.memory_space<vmem>>) target(%dma_start3A_198 : memref<1024x64xf32, #tpu.memory_space<vmem_shared>>) offsets(%dma_start3A_195 : memref<128xi32, #tpu.memory_space<vmem>>) semaphore(%dma_start3A_200 : memref<!tpu.dma_semaphore, #tpu.memory_space<semaphore_mem>>) {add = true}
    %dma_wait3A_201 = arith.constant 2 : i32
    %dma_wait3A_202 = arith.constant 256 : i32
    %dma_wait3A_203 = arith.constant 0 : i32
    %dma_wait3A_204 = tpu.memref_slice %arg6[%dma_wait3A_202, %dma_wait3A_203] : memref<1024x64xf32, #tpu.memory_space<vmem>> -> memref<128x64xf32, #tpu.memory_space<vmem>>
    %dma_wait3A_205 = tpu.memref_slice %arg2[%add3A_56, %mul3A_0] : memref<16384x128xf32, #tpu.memory_space<hbm>> -> memref<128x64xf32, #tpu.memory_space<hbm>>
    %dma_wait3A_206 = tpu.memref_slice %arg10[%dma_wait3A_201] : memref<27x!tpu.dma_semaphore, #tpu.memory_space<semaphore_mem>> -> memref<1x!tpu.dma_semaphore, #tpu.memory_space<semaphore_mem>>
    %dma_wait3A_207 = tpu.memref_squeeze %dma_wait3A_206 : memref<1x!tpu.dma_semaphore, #tpu.memory_space<semaphore_mem>> -> memref<!tpu.dma_semaphore, #tpu.memory_space<semaphore_mem>>
    %dma_wait3A_208 = arith.constant 256 : i32
    %dma_wait3A_209 = arith.constant 0 : i32
    %dma_wait3A_210 = tpu.memref_slice %arg6[%dma_wait3A_208, %dma_wait3A_209] : memref<1024x64xf32, #tpu.memory_space<vmem>> -> memref<128x64xf32, #tpu.memory_space<vmem>>
    %dma_wait3A_211 = tpu.memref_slice %arg2[%add3A_56, %mul3A_0] : memref<16384x128xf32, #tpu.memory_space<hbm>> -> memref<128x64xf32, #tpu.memory_space<hbm>>
    tpu.wait_dma2 semaphore(%dma_wait3A_207 : memref<!tpu.dma_semaphore, #tpu.memory_space<semaphore_mem>>) src(%dma_wait3A_211 : memref<128x64xf32, #tpu.memory_space<hbm>>) dst(%dma_wait3A_210 : memref<128x64xf32, #tpu.memory_space<vmem>>)
    %dma_start3A_212 = arith.constant 2 : i32
    %dma_start3A_213 = arith.constant 18 : i32
    %dma_start3A_214 = arith.constant 256 : i32
    %dma_start3A_215 = arith.constant 0 : i32
    %dma_start3A_216 = tpu.memref_slice %arg6[%dma_start3A_214, %dma_start3A_215] : memref<1024x64xf32, #tpu.memory_space<vmem>> -> memref<128x64xf32, #tpu.memory_space<vmem>>
    %dma_start3A_217 = arith.constant 0 : i32
    %dma_start3A_218 = tpu.memref_slice %arg8[%dma_start3A_212, %dma_start3A_217] : memref<16x128xi32, #tpu.memory_space<vmem>> -> memref<1x128xi32, #tpu.memory_space<vmem>>
    %dma_start3A_219 = tpu.memref_squeeze %dma_start3A_218 : memref<1x128xi32, #tpu.memory_space<vmem>> -> memref<128xi32, #tpu.memory_space<vmem>>
    %dma_start3A_220 = arith.constant 0 : i32
    %dma_start3A_221 = arith.constant 0 : i32
    %dma_start3A_222 = tpu.memref_slice %arg9[%dma_start3A_220, %dma_start3A_221] : memref<1024x64xf32, #tpu.memory_space<vmem_shared>> -> memref<1024x64xf32, #tpu.memory_space<vmem_shared>>
    %dma_start3A_223 = tpu.memref_slice %arg10[%dma_start3A_213] : memref<27x!tpu.dma_semaphore, #tpu.memory_space<semaphore_mem>> -> memref<1x!tpu.dma_semaphore, #tpu.memory_space<semaphore_mem>>
    %dma_start3A_224 = tpu.memref_squeeze %dma_start3A_223 : memref<1x!tpu.dma_semaphore, #tpu.memory_space<semaphore_mem>> -> memref<!tpu.dma_semaphore, #tpu.memory_space<semaphore_mem>>
    tpu.enqueue_indirect_dma source(%dma_start3A_216 : memref<128x64xf32, #tpu.memory_space<vmem>>) target(%dma_start3A_222 : memref<1024x64xf32, #tpu.memory_space<vmem_shared>>) offsets(%dma_start3A_219 : memref<128xi32, #tpu.memory_space<vmem>>) semaphore(%dma_start3A_224 : memref<!tpu.dma_semaphore, #tpu.memory_space<semaphore_mem>>) {add = true}
    %dma_wait3A_225 = arith.constant 3 : i32
    %dma_wait3A_226 = arith.constant 384 : i32
    %dma_wait3A_227 = arith.constant 0 : i32
    %dma_wait3A_228 = tpu.memref_slice %arg6[%dma_wait3A_226, %dma_wait3A_227] : memref<1024x64xf32, #tpu.memory_space<vmem>> -> memref<128x64xf32, #tpu.memory_space<vmem>>
    %dma_wait3A_229 = tpu.memref_slice %arg2[%add3A_69, %mul3A_0] : memref<16384x128xf32, #tpu.memory_space<hbm>> -> memref<128x64xf32, #tpu.memory_space<hbm>>
    %dma_wait3A_230 = tpu.memref_slice %arg10[%dma_wait3A_225] : memref<27x!tpu.dma_semaphore, #tpu.memory_space<semaphore_mem>> -> memref<1x!tpu.dma_semaphore, #tpu.memory_space<semaphore_mem>>
    %dma_wait3A_231 = tpu.memref_squeeze %dma_wait3A_230 : memref<1x!tpu.dma_semaphore, #tpu.memory_space<semaphore_mem>> -> memref<!tpu.dma_semaphore, #tpu.memory_space<semaphore_mem>>
    %dma_wait3A_232 = arith.constant 384 : i32
    %dma_wait3A_233 = arith.constant 0 : i32
    %dma_wait3A_234 = tpu.memref_slice %arg6[%dma_wait3A_232, %dma_wait3A_233] : memref<1024x64xf32, #tpu.memory_space<vmem>> -> memref<128x64xf32, #tpu.memory_space<vmem>>
    %dma_wait3A_235 = tpu.memref_slice %arg2[%add3A_69, %mul3A_0] : memref<16384x128xf32, #tpu.memory_space<hbm>> -> memref<128x64xf32, #tpu.memory_space<hbm>>
    tpu.wait_dma2 semaphore(%dma_wait3A_231 : memref<!tpu.dma_semaphore, #tpu.memory_space<semaphore_mem>>) src(%dma_wait3A_235 : memref<128x64xf32, #tpu.memory_space<hbm>>) dst(%dma_wait3A_234 : memref<128x64xf32, #tpu.memory_space<vmem>>)
    %dma_start3A_236 = arith.constant 3 : i32
    %dma_start3A_237 = arith.constant 19 : i32
    %dma_start3A_238 = arith.constant 384 : i32
    %dma_start3A_239 = arith.constant 0 : i32
    %dma_start3A_240 = tpu.memref_slice %arg6[%dma_start3A_238, %dma_start3A_239] : memref<1024x64xf32, #tpu.memory_space<vmem>> -> memref<128x64xf32, #tpu.memory_space<vmem>>
    %dma_start3A_241 = arith.constant 0 : i32
    %dma_start3A_242 = tpu.memref_slice %arg8[%dma_start3A_236, %dma_start3A_241] : memref<16x128xi32, #tpu.memory_space<vmem>> -> memref<1x128xi32, #tpu.memory_space<vmem>>
    %dma_start3A_243 = tpu.memref_squeeze %dma_start3A_242 : memref<1x128xi32, #tpu.memory_space<vmem>> -> memref<128xi32, #tpu.memory_space<vmem>>
    %dma_start3A_244 = arith.constant 0 : i32
    %dma_start3A_245 = arith.constant 0 : i32
    %dma_start3A_246 = tpu.memref_slice %arg9[%dma_start3A_244, %dma_start3A_245] : memref<1024x64xf32, #tpu.memory_space<vmem_shared>> -> memref<1024x64xf32, #tpu.memory_space<vmem_shared>>
    %dma_start3A_247 = tpu.memref_slice %arg10[%dma_start3A_237] : memref<27x!tpu.dma_semaphore, #tpu.memory_space<semaphore_mem>> -> memref<1x!tpu.dma_semaphore, #tpu.memory_space<semaphore_mem>>
    %dma_start3A_248 = tpu.memref_squeeze %dma_start3A_247 : memref<1x!tpu.dma_semaphore, #tpu.memory_space<semaphore_mem>> -> memref<!tpu.dma_semaphore, #tpu.memory_space<semaphore_mem>>
    tpu.enqueue_indirect_dma source(%dma_start3A_240 : memref<128x64xf32, #tpu.memory_space<vmem>>) target(%dma_start3A_246 : memref<1024x64xf32, #tpu.memory_space<vmem_shared>>) offsets(%dma_start3A_243 : memref<128xi32, #tpu.memory_space<vmem>>) semaphore(%dma_start3A_248 : memref<!tpu.dma_semaphore, #tpu.memory_space<semaphore_mem>>) {add = true}
    %dma_wait3A_249 = arith.constant 4 : i32
    %dma_wait3A_250 = arith.constant 512 : i32
    %dma_wait3A_251 = arith.constant 0 : i32
    %dma_wait3A_252 = tpu.memref_slice %arg6[%dma_wait3A_250, %dma_wait3A_251] : memref<1024x64xf32, #tpu.memory_space<vmem>> -> memref<128x64xf32, #tpu.memory_space<vmem>>
    %dma_wait3A_253 = tpu.memref_slice %arg2[%add3A_82, %mul3A_0] : memref<16384x128xf32, #tpu.memory_space<hbm>> -> memref<128x64xf32, #tpu.memory_space<hbm>>
    %dma_wait3A_254 = tpu.memref_slice %arg10[%dma_wait3A_249] : memref<27x!tpu.dma_semaphore, #tpu.memory_space<semaphore_mem>> -> memref<1x!tpu.dma_semaphore, #tpu.memory_space<semaphore_mem>>
    %dma_wait3A_255 = tpu.memref_squeeze %dma_wait3A_254 : memref<1x!tpu.dma_semaphore, #tpu.memory_space<semaphore_mem>> -> memref<!tpu.dma_semaphore, #tpu.memory_space<semaphore_mem>>
    %dma_wait3A_256 = arith.constant 512 : i32
    %dma_wait3A_257 = arith.constant 0 : i32
    %dma_wait3A_258 = tpu.memref_slice %arg6[%dma_wait3A_256, %dma_wait3A_257] : memref<1024x64xf32, #tpu.memory_space<vmem>> -> memref<128x64xf32, #tpu.memory_space<vmem>>
    %dma_wait3A_259 = tpu.memref_slice %arg2[%add3A_82, %mul3A_0] : memref<16384x128xf32, #tpu.memory_space<hbm>> -> memref<128x64xf32, #tpu.memory_space<hbm>>
    tpu.wait_dma2 semaphore(%dma_wait3A_255 : memref<!tpu.dma_semaphore, #tpu.memory_space<semaphore_mem>>) src(%dma_wait3A_259 : memref<128x64xf32, #tpu.memory_space<hbm>>) dst(%dma_wait3A_258 : memref<128x64xf32, #tpu.memory_space<vmem>>)
    %dma_start3A_260 = arith.constant 4 : i32
    %dma_start3A_261 = arith.constant 20 : i32
    %dma_start3A_262 = arith.constant 512 : i32
    %dma_start3A_263 = arith.constant 0 : i32
    %dma_start3A_264 = tpu.memref_slice %arg6[%dma_start3A_262, %dma_start3A_263] : memref<1024x64xf32, #tpu.memory_space<vmem>> -> memref<128x64xf32, #tpu.memory_space<vmem>>
    %dma_start3A_265 = arith.constant 0 : i32
    %dma_start3A_266 = tpu.memref_slice %arg8[%dma_start3A_260, %dma_start3A_265] : memref<16x128xi32, #tpu.memory_space<vmem>> -> memref<1x128xi32, #tpu.memory_space<vmem>>
    %dma_start3A_267 = tpu.memref_squeeze %dma_start3A_266 : memref<1x128xi32, #tpu.memory_space<vmem>> -> memref<128xi32, #tpu.memory_space<vmem>>
    %dma_start3A_268 = arith.constant 0 : i32
    %dma_start3A_269 = arith.constant 0 : i32
    %dma_start3A_270 = tpu.memref_slice %arg9[%dma_start3A_268, %dma_start3A_269] : memref<1024x64xf32, #tpu.memory_space<vmem_shared>> -> memref<1024x64xf32, #tpu.memory_space<vmem_shared>>
    %dma_start3A_271 = tpu.memref_slice %arg10[%dma_start3A_261] : memref<27x!tpu.dma_semaphore, #tpu.memory_space<semaphore_mem>> -> memref<1x!tpu.dma_semaphore, #tpu.memory_space<semaphore_mem>>
    %dma_start3A_272 = tpu.memref_squeeze %dma_start3A_271 : memref<1x!tpu.dma_semaphore, #tpu.memory_space<semaphore_mem>> -> memref<!tpu.dma_semaphore, #tpu.memory_space<semaphore_mem>>
    tpu.enqueue_indirect_dma source(%dma_start3A_264 : memref<128x64xf32, #tpu.memory_space<vmem>>) target(%dma_start3A_270 : memref<1024x64xf32, #tpu.memory_space<vmem_shared>>) offsets(%dma_start3A_267 : memref<128xi32, #tpu.memory_space<vmem>>) semaphore(%dma_start3A_272 : memref<!tpu.dma_semaphore, #tpu.memory_space<semaphore_mem>>) {add = true}
    %dma_wait3A_273 = arith.constant 5 : i32
    %dma_wait3A_274 = arith.constant 640 : i32
    %dma_wait3A_275 = arith.constant 0 : i32
    %dma_wait3A_276 = tpu.memref_slice %arg6[%dma_wait3A_274, %dma_wait3A_275] : memref<1024x64xf32, #tpu.memory_space<vmem>> -> memref<128x64xf32, #tpu.memory_space<vmem>>
    %dma_wait3A_277 = tpu.memref_slice %arg2[%add3A_95, %mul3A_0] : memref<16384x128xf32, #tpu.memory_space<hbm>> -> memref<128x64xf32, #tpu.memory_space<hbm>>
    %dma_wait3A_278 = tpu.memref_slice %arg10[%dma_wait3A_273] : memref<27x!tpu.dma_semaphore, #tpu.memory_space<semaphore_mem>> -> memref<1x!tpu.dma_semaphore, #tpu.memory_space<semaphore_mem>>
    %dma_wait3A_279 = tpu.memref_squeeze %dma_wait3A_278 : memref<1x!tpu.dma_semaphore, #tpu.memory_space<semaphore_mem>> -> memref<!tpu.dma_semaphore, #tpu.memory_space<semaphore_mem>>
    %dma_wait3A_280 = arith.constant 640 : i32
    %dma_wait3A_281 = arith.constant 0 : i32
    %dma_wait3A_282 = tpu.memref_slice %arg6[%dma_wait3A_280, %dma_wait3A_281] : memref<1024x64xf32, #tpu.memory_space<vmem>> -> memref<128x64xf32, #tpu.memory_space<vmem>>
    %dma_wait3A_283 = tpu.memref_slice %arg2[%add3A_95, %mul3A_0] : memref<16384x128xf32, #tpu.memory_space<hbm>> -> memref<128x64xf32, #tpu.memory_space<hbm>>
    tpu.wait_dma2 semaphore(%dma_wait3A_279 : memref<!tpu.dma_semaphore, #tpu.memory_space<semaphore_mem>>) src(%dma_wait3A_283 : memref<128x64xf32, #tpu.memory_space<hbm>>) dst(%dma_wait3A_282 : memref<128x64xf32, #tpu.memory_space<vmem>>)
    %dma_start3A_284 = arith.constant 5 : i32
    %dma_start3A_285 = arith.constant 21 : i32
    %dma_start3A_286 = arith.constant 640 : i32
    %dma_start3A_287 = arith.constant 0 : i32
    %dma_start3A_288 = tpu.memref_slice %arg6[%dma_start3A_286, %dma_start3A_287] : memref<1024x64xf32, #tpu.memory_space<vmem>> -> memref<128x64xf32, #tpu.memory_space<vmem>>
    %dma_start3A_289 = arith.constant 0 : i32
    %dma_start3A_290 = tpu.memref_slice %arg8[%dma_start3A_284, %dma_start3A_289] : memref<16x128xi32, #tpu.memory_space<vmem>> -> memref<1x128xi32, #tpu.memory_space<vmem>>
    %dma_start3A_291 = tpu.memref_squeeze %dma_start3A_290 : memref<1x128xi32, #tpu.memory_space<vmem>> -> memref<128xi32, #tpu.memory_space<vmem>>
    %dma_start3A_292 = arith.constant 0 : i32
    %dma_start3A_293 = arith.constant 0 : i32
    %dma_start3A_294 = tpu.memref_slice %arg9[%dma_start3A_292, %dma_start3A_293] : memref<1024x64xf32, #tpu.memory_space<vmem_shared>> -> memref<1024x64xf32, #tpu.memory_space<vmem_shared>>
    %dma_start3A_295 = tpu.memref_slice %arg10[%dma_start3A_285] : memref<27x!tpu.dma_semaphore, #tpu.memory_space<semaphore_mem>> -> memref<1x!tpu.dma_semaphore, #tpu.memory_space<semaphore_mem>>
    %dma_start3A_296 = tpu.memref_squeeze %dma_start3A_295 : memref<1x!tpu.dma_semaphore, #tpu.memory_space<semaphore_mem>> -> memref<!tpu.dma_semaphore, #tpu.memory_space<semaphore_mem>>
    tpu.enqueue_indirect_dma source(%dma_start3A_288 : memref<128x64xf32, #tpu.memory_space<vmem>>) target(%dma_start3A_294 : memref<1024x64xf32, #tpu.memory_space<vmem_shared>>) offsets(%dma_start3A_291 : memref<128xi32, #tpu.memory_space<vmem>>) semaphore(%dma_start3A_296 : memref<!tpu.dma_semaphore, #tpu.memory_space<semaphore_mem>>) {add = true}
    %dma_wait3A_297 = arith.constant 6 : i32
    %dma_wait3A_298 = arith.constant 768 : i32
    %dma_wait3A_299 = arith.constant 0 : i32
    %dma_wait3A_300 = tpu.memref_slice %arg6[%dma_wait3A_298, %dma_wait3A_299] : memref<1024x64xf32, #tpu.memory_space<vmem>> -> memref<128x64xf32, #tpu.memory_space<vmem>>
    %dma_wait3A_301 = tpu.memref_slice %arg2[%add3A_108, %mul3A_0] : memref<16384x128xf32, #tpu.memory_space<hbm>> -> memref<128x64xf32, #tpu.memory_space<hbm>>
    %dma_wait3A_302 = tpu.memref_slice %arg10[%dma_wait3A_297] : memref<27x!tpu.dma_semaphore, #tpu.memory_space<semaphore_mem>> -> memref<1x!tpu.dma_semaphore, #tpu.memory_space<semaphore_mem>>
    %dma_wait3A_303 = tpu.memref_squeeze %dma_wait3A_302 : memref<1x!tpu.dma_semaphore, #tpu.memory_space<semaphore_mem>> -> memref<!tpu.dma_semaphore, #tpu.memory_space<semaphore_mem>>
    %dma_wait3A_304 = arith.constant 768 : i32
    %dma_wait3A_305 = arith.constant 0 : i32
    %dma_wait3A_306 = tpu.memref_slice %arg6[%dma_wait3A_304, %dma_wait3A_305] : memref<1024x64xf32, #tpu.memory_space<vmem>> -> memref<128x64xf32, #tpu.memory_space<vmem>>
    %dma_wait3A_307 = tpu.memref_slice %arg2[%add3A_108, %mul3A_0] : memref<16384x128xf32, #tpu.memory_space<hbm>> -> memref<128x64xf32, #tpu.memory_space<hbm>>
    tpu.wait_dma2 semaphore(%dma_wait3A_303 : memref<!tpu.dma_semaphore, #tpu.memory_space<semaphore_mem>>) src(%dma_wait3A_307 : memref<128x64xf32, #tpu.memory_space<hbm>>) dst(%dma_wait3A_306 : memref<128x64xf32, #tpu.memory_space<vmem>>)
    %dma_start3A_308 = arith.constant 6 : i32
    %dma_start3A_309 = arith.constant 22 : i32
    %dma_start3A_310 = arith.constant 768 : i32
    %dma_start3A_311 = arith.constant 0 : i32
    %dma_start3A_312 = tpu.memref_slice %arg6[%dma_start3A_310, %dma_start3A_311] : memref<1024x64xf32, #tpu.memory_space<vmem>> -> memref<128x64xf32, #tpu.memory_space<vmem>>
    %dma_start3A_313 = arith.constant 0 : i32
    %dma_start3A_314 = tpu.memref_slice %arg8[%dma_start3A_308, %dma_start3A_313] : memref<16x128xi32, #tpu.memory_space<vmem>> -> memref<1x128xi32, #tpu.memory_space<vmem>>
    %dma_start3A_315 = tpu.memref_squeeze %dma_start3A_314 : memref<1x128xi32, #tpu.memory_space<vmem>> -> memref<128xi32, #tpu.memory_space<vmem>>
    %dma_start3A_316 = arith.constant 0 : i32
    %dma_start3A_317 = arith.constant 0 : i32
    %dma_start3A_318 = tpu.memref_slice %arg9[%dma_start3A_316, %dma_start3A_317] : memref<1024x64xf32, #tpu.memory_space<vmem_shared>> -> memref<1024x64xf32, #tpu.memory_space<vmem_shared>>
    %dma_start3A_319 = tpu.memref_slice %arg10[%dma_start3A_309] : memref<27x!tpu.dma_semaphore, #tpu.memory_space<semaphore_mem>> -> memref<1x!tpu.dma_semaphore, #tpu.memory_space<semaphore_mem>>
    %dma_start3A_320 = tpu.memref_squeeze %dma_start3A_319 : memref<1x!tpu.dma_semaphore, #tpu.memory_space<semaphore_mem>> -> memref<!tpu.dma_semaphore, #tpu.memory_space<semaphore_mem>>
    tpu.enqueue_indirect_dma source(%dma_start3A_312 : memref<128x64xf32, #tpu.memory_space<vmem>>) target(%dma_start3A_318 : memref<1024x64xf32, #tpu.memory_space<vmem_shared>>) offsets(%dma_start3A_315 : memref<128xi32, #tpu.memory_space<vmem>>) semaphore(%dma_start3A_320 : memref<!tpu.dma_semaphore, #tpu.memory_space<semaphore_mem>>) {add = true}
    %dma_wait3A_321 = arith.constant 7 : i32
    %dma_wait3A_322 = arith.constant 896 : i32
    %dma_wait3A_323 = arith.constant 0 : i32
    %dma_wait3A_324 = tpu.memref_slice %arg6[%dma_wait3A_322, %dma_wait3A_323] : memref<1024x64xf32, #tpu.memory_space<vmem>> -> memref<128x64xf32, #tpu.memory_space<vmem>>
    %dma_wait3A_325 = tpu.memref_slice %arg2[%add3A_121, %mul3A_0] : memref<16384x128xf32, #tpu.memory_space<hbm>> -> memref<128x64xf32, #tpu.memory_space<hbm>>
    %dma_wait3A_326 = tpu.memref_slice %arg10[%dma_wait3A_321] : memref<27x!tpu.dma_semaphore, #tpu.memory_space<semaphore_mem>> -> memref<1x!tpu.dma_semaphore, #tpu.memory_space<semaphore_mem>>
    %dma_wait3A_327 = tpu.memref_squeeze %dma_wait3A_326 : memref<1x!tpu.dma_semaphore, #tpu.memory_space<semaphore_mem>> -> memref<!tpu.dma_semaphore, #tpu.memory_space<semaphore_mem>>
    %dma_wait3A_328 = arith.constant 896 : i32
    %dma_wait3A_329 = arith.constant 0 : i32
    %dma_wait3A_330 = tpu.memref_slice %arg6[%dma_wait3A_328, %dma_wait3A_329] : memref<1024x64xf32, #tpu.memory_space<vmem>> -> memref<128x64xf32, #tpu.memory_space<vmem>>
    %dma_wait3A_331 = tpu.memref_slice %arg2[%add3A_121, %mul3A_0] : memref<16384x128xf32, #tpu.memory_space<hbm>> -> memref<128x64xf32, #tpu.memory_space<hbm>>
    tpu.wait_dma2 semaphore(%dma_wait3A_327 : memref<!tpu.dma_semaphore, #tpu.memory_space<semaphore_mem>>) src(%dma_wait3A_331 : memref<128x64xf32, #tpu.memory_space<hbm>>) dst(%dma_wait3A_330 : memref<128x64xf32, #tpu.memory_space<vmem>>)
    %dma_start3A_332 = arith.constant 7 : i32
    %dma_start3A_333 = arith.constant 23 : i32
    %dma_start3A_334 = arith.constant 896 : i32
    %dma_start3A_335 = arith.constant 0 : i32
    %dma_start3A_336 = tpu.memref_slice %arg6[%dma_start3A_334, %dma_start3A_335] : memref<1024x64xf32, #tpu.memory_space<vmem>> -> memref<128x64xf32, #tpu.memory_space<vmem>>
    %dma_start3A_337 = arith.constant 0 : i32
    %dma_start3A_338 = tpu.memref_slice %arg8[%dma_start3A_332, %dma_start3A_337] : memref<16x128xi32, #tpu.memory_space<vmem>> -> memref<1x128xi32, #tpu.memory_space<vmem>>
    %dma_start3A_339 = tpu.memref_squeeze %dma_start3A_338 : memref<1x128xi32, #tpu.memory_space<vmem>> -> memref<128xi32, #tpu.memory_space<vmem>>
    %dma_start3A_340 = arith.constant 0 : i32
    %dma_start3A_341 = arith.constant 0 : i32
    %dma_start3A_342 = tpu.memref_slice %arg9[%dma_start3A_340, %dma_start3A_341] : memref<1024x64xf32, #tpu.memory_space<vmem_shared>> -> memref<1024x64xf32, #tpu.memory_space<vmem_shared>>
    %dma_start3A_343 = tpu.memref_slice %arg10[%dma_start3A_333] : memref<27x!tpu.dma_semaphore, #tpu.memory_space<semaphore_mem>> -> memref<1x!tpu.dma_semaphore, #tpu.memory_space<semaphore_mem>>
    %dma_start3A_344 = tpu.memref_squeeze %dma_start3A_343 : memref<1x!tpu.dma_semaphore, #tpu.memory_space<semaphore_mem>> -> memref<!tpu.dma_semaphore, #tpu.memory_space<semaphore_mem>>
    tpu.enqueue_indirect_dma source(%dma_start3A_336 : memref<128x64xf32, #tpu.memory_space<vmem>>) target(%dma_start3A_342 : memref<1024x64xf32, #tpu.memory_space<vmem_shared>>) offsets(%dma_start3A_339 : memref<128xi32, #tpu.memory_space<vmem>>) semaphore(%dma_start3A_344 : memref<!tpu.dma_semaphore, #tpu.memory_space<semaphore_mem>>) {add = true}
    %dma_wait3A_345 = arith.constant 0 : i32
    %dma_wait3A_346 = arith.constant 16 : i32
    %dma_wait3A_347 = arith.constant 0 : i32
    %dma_wait3A_348 = arith.constant 0 : i32
    %dma_wait3A_349 = tpu.memref_slice %arg6[%dma_wait3A_347, %dma_wait3A_348] : memref<1024x64xf32, #tpu.memory_space<vmem>> -> memref<128x64xf32, #tpu.memory_space<vmem>>
    %dma_wait3A_350 = arith.constant 0 : i32
    %dma_wait3A_351 = tpu.memref_slice %arg8[%dma_wait3A_345, %dma_wait3A_350] : memref<16x128xi32, #tpu.memory_space<vmem>> -> memref<1x128xi32, #tpu.memory_space<vmem>>
    %dma_wait3A_352 = tpu.memref_squeeze %dma_wait3A_351 : memref<1x128xi32, #tpu.memory_space<vmem>> -> memref<128xi32, #tpu.memory_space<vmem>>
    %dma_wait3A_353 = arith.constant 0 : i32
    %dma_wait3A_354 = arith.constant 0 : i32
    %dma_wait3A_355 = tpu.memref_slice %arg9[%dma_wait3A_353, %dma_wait3A_354] : memref<1024x64xf32, #tpu.memory_space<vmem_shared>> -> memref<1024x64xf32, #tpu.memory_space<vmem_shared>>
    %dma_wait3A_356 = tpu.memref_slice %arg10[%dma_wait3A_346] : memref<27x!tpu.dma_semaphore, #tpu.memory_space<semaphore_mem>> -> memref<1x!tpu.dma_semaphore, #tpu.memory_space<semaphore_mem>>
    %dma_wait3A_357 = tpu.memref_squeeze %dma_wait3A_356 : memref<1x!tpu.dma_semaphore, #tpu.memory_space<semaphore_mem>> -> memref<!tpu.dma_semaphore, #tpu.memory_space<semaphore_mem>>
    tpu.wait_indirect_dma semaphore(%dma_wait3A_357 : memref<!tpu.dma_semaphore, #tpu.memory_space<semaphore_mem>>) src(%dma_wait3A_349 : memref<128x64xf32, #tpu.memory_space<vmem>>) dst(%dma_wait3A_355 : memref<1024x64xf32, #tpu.memory_space<vmem_shared>>)
    %dma_wait3A_358 = arith.constant 1 : i32
    %dma_wait3A_359 = arith.constant 17 : i32
    %dma_wait3A_360 = arith.constant 128 : i32
    %dma_wait3A_361 = arith.constant 0 : i32
    %dma_wait3A_362 = tpu.memref_slice %arg6[%dma_wait3A_360, %dma_wait3A_361] : memref<1024x64xf32, #tpu.memory_space<vmem>> -> memref<128x64xf32, #tpu.memory_space<vmem>>
    %dma_wait3A_363 = arith.constant 0 : i32
    %dma_wait3A_364 = tpu.memref_slice %arg8[%dma_wait3A_358, %dma_wait3A_363] : memref<16x128xi32, #tpu.memory_space<vmem>> -> memref<1x128xi32, #tpu.memory_space<vmem>>
    %dma_wait3A_365 = tpu.memref_squeeze %dma_wait3A_364 : memref<1x128xi32, #tpu.memory_space<vmem>> -> memref<128xi32, #tpu.memory_space<vmem>>
    %dma_wait3A_366 = arith.constant 0 : i32
    %dma_wait3A_367 = arith.constant 0 : i32
    %dma_wait3A_368 = tpu.memref_slice %arg9[%dma_wait3A_366, %dma_wait3A_367] : memref<1024x64xf32, #tpu.memory_space<vmem_shared>> -> memref<1024x64xf32, #tpu.memory_space<vmem_shared>>
    %dma_wait3A_369 = tpu.memref_slice %arg10[%dma_wait3A_359] : memref<27x!tpu.dma_semaphore, #tpu.memory_space<semaphore_mem>> -> memref<1x!tpu.dma_semaphore, #tpu.memory_space<semaphore_mem>>
    %dma_wait3A_370 = tpu.memref_squeeze %dma_wait3A_369 : memref<1x!tpu.dma_semaphore, #tpu.memory_space<semaphore_mem>> -> memref<!tpu.dma_semaphore, #tpu.memory_space<semaphore_mem>>
    tpu.wait_indirect_dma semaphore(%dma_wait3A_370 : memref<!tpu.dma_semaphore, #tpu.memory_space<semaphore_mem>>) src(%dma_wait3A_362 : memref<128x64xf32, #tpu.memory_space<vmem>>) dst(%dma_wait3A_368 : memref<1024x64xf32, #tpu.memory_space<vmem_shared>>)
    %dma_wait3A_371 = arith.constant 2 : i32
    %dma_wait3A_372 = arith.constant 18 : i32
    %dma_wait3A_373 = arith.constant 256 : i32
    %dma_wait3A_374 = arith.constant 0 : i32
    %dma_wait3A_375 = tpu.memref_slice %arg6[%dma_wait3A_373, %dma_wait3A_374] : memref<1024x64xf32, #tpu.memory_space<vmem>> -> memref<128x64xf32, #tpu.memory_space<vmem>>
    %dma_wait3A_376 = arith.constant 0 : i32
    %dma_wait3A_377 = tpu.memref_slice %arg8[%dma_wait3A_371, %dma_wait3A_376] : memref<16x128xi32, #tpu.memory_space<vmem>> -> memref<1x128xi32, #tpu.memory_space<vmem>>
    %dma_wait3A_378 = tpu.memref_squeeze %dma_wait3A_377 : memref<1x128xi32, #tpu.memory_space<vmem>> -> memref<128xi32, #tpu.memory_space<vmem>>
    %dma_wait3A_379 = arith.constant 0 : i32
    %dma_wait3A_380 = arith.constant 0 : i32
    %dma_wait3A_381 = tpu.memref_slice %arg9[%dma_wait3A_379, %dma_wait3A_380] : memref<1024x64xf32, #tpu.memory_space<vmem_shared>> -> memref<1024x64xf32, #tpu.memory_space<vmem_shared>>
    %dma_wait3A_382 = tpu.memref_slice %arg10[%dma_wait3A_372] : memref<27x!tpu.dma_semaphore, #tpu.memory_space<semaphore_mem>> -> memref<1x!tpu.dma_semaphore, #tpu.memory_space<semaphore_mem>>
    %dma_wait3A_383 = tpu.memref_squeeze %dma_wait3A_382 : memref<1x!tpu.dma_semaphore, #tpu.memory_space<semaphore_mem>> -> memref<!tpu.dma_semaphore, #tpu.memory_space<semaphore_mem>>
    tpu.wait_indirect_dma semaphore(%dma_wait3A_383 : memref<!tpu.dma_semaphore, #tpu.memory_space<semaphore_mem>>) src(%dma_wait3A_375 : memref<128x64xf32, #tpu.memory_space<vmem>>) dst(%dma_wait3A_381 : memref<1024x64xf32, #tpu.memory_space<vmem_shared>>)
    %dma_wait3A_384 = arith.constant 3 : i32
    %dma_wait3A_385 = arith.constant 19 : i32
    %dma_wait3A_386 = arith.constant 384 : i32
    %dma_wait3A_387 = arith.constant 0 : i32
    %dma_wait3A_388 = tpu.memref_slice %arg6[%dma_wait3A_386, %dma_wait3A_387] : memref<1024x64xf32, #tpu.memory_space<vmem>> -> memref<128x64xf32, #tpu.memory_space<vmem>>
    %dma_wait3A_389 = arith.constant 0 : i32
    %dma_wait3A_390 = tpu.memref_slice %arg8[%dma_wait3A_384, %dma_wait3A_389] : memref<16x128xi32, #tpu.memory_space<vmem>> -> memref<1x128xi32, #tpu.memory_space<vmem>>
    %dma_wait3A_391 = tpu.memref_squeeze %dma_wait3A_390 : memref<1x128xi32, #tpu.memory_space<vmem>> -> memref<128xi32, #tpu.memory_space<vmem>>
    %dma_wait3A_392 = arith.constant 0 : i32
    %dma_wait3A_393 = arith.constant 0 : i32
    %dma_wait3A_394 = tpu.memref_slice %arg9[%dma_wait3A_392, %dma_wait3A_393] : memref<1024x64xf32, #tpu.memory_space<vmem_shared>> -> memref<1024x64xf32, #tpu.memory_space<vmem_shared>>
    %dma_wait3A_395 = tpu.memref_slice %arg10[%dma_wait3A_385] : memref<27x!tpu.dma_semaphore, #tpu.memory_space<semaphore_mem>> -> memref<1x!tpu.dma_semaphore, #tpu.memory_space<semaphore_mem>>
    %dma_wait3A_396 = tpu.memref_squeeze %dma_wait3A_395 : memref<1x!tpu.dma_semaphore, #tpu.memory_space<semaphore_mem>> -> memref<!tpu.dma_semaphore, #tpu.memory_space<semaphore_mem>>
    tpu.wait_indirect_dma semaphore(%dma_wait3A_396 : memref<!tpu.dma_semaphore, #tpu.memory_space<semaphore_mem>>) src(%dma_wait3A_388 : memref<128x64xf32, #tpu.memory_space<vmem>>) dst(%dma_wait3A_394 : memref<1024x64xf32, #tpu.memory_space<vmem_shared>>)
    %dma_wait3A_397 = arith.constant 4 : i32
    %dma_wait3A_398 = arith.constant 20 : i32
    %dma_wait3A_399 = arith.constant 512 : i32
    %dma_wait3A_400 = arith.constant 0 : i32
    %dma_wait3A_401 = tpu.memref_slice %arg6[%dma_wait3A_399, %dma_wait3A_400] : memref<1024x64xf32, #tpu.memory_space<vmem>> -> memref<128x64xf32, #tpu.memory_space<vmem>>
    %dma_wait3A_402 = arith.constant 0 : i32
    %dma_wait3A_403 = tpu.memref_slice %arg8[%dma_wait3A_397, %dma_wait3A_402] : memref<16x128xi32, #tpu.memory_space<vmem>> -> memref<1x128xi32, #tpu.memory_space<vmem>>
    %dma_wait3A_404 = tpu.memref_squeeze %dma_wait3A_403 : memref<1x128xi32, #tpu.memory_space<vmem>> -> memref<128xi32, #tpu.memory_space<vmem>>
    %dma_wait3A_405 = arith.constant 0 : i32
    %dma_wait3A_406 = arith.constant 0 : i32
    %dma_wait3A_407 = tpu.memref_slice %arg9[%dma_wait3A_405, %dma_wait3A_406] : memref<1024x64xf32, #tpu.memory_space<vmem_shared>> -> memref<1024x64xf32, #tpu.memory_space<vmem_shared>>
    %dma_wait3A_408 = tpu.memref_slice %arg10[%dma_wait3A_398] : memref<27x!tpu.dma_semaphore, #tpu.memory_space<semaphore_mem>> -> memref<1x!tpu.dma_semaphore, #tpu.memory_space<semaphore_mem>>
    %dma_wait3A_409 = tpu.memref_squeeze %dma_wait3A_408 : memref<1x!tpu.dma_semaphore, #tpu.memory_space<semaphore_mem>> -> memref<!tpu.dma_semaphore, #tpu.memory_space<semaphore_mem>>
    tpu.wait_indirect_dma semaphore(%dma_wait3A_409 : memref<!tpu.dma_semaphore, #tpu.memory_space<semaphore_mem>>) src(%dma_wait3A_401 : memref<128x64xf32, #tpu.memory_space<vmem>>) dst(%dma_wait3A_407 : memref<1024x64xf32, #tpu.memory_space<vmem_shared>>)
    %dma_wait3A_410 = arith.constant 5 : i32
    %dma_wait3A_411 = arith.constant 21 : i32
    %dma_wait3A_412 = arith.constant 640 : i32
    %dma_wait3A_413 = arith.constant 0 : i32
    %dma_wait3A_414 = tpu.memref_slice %arg6[%dma_wait3A_412, %dma_wait3A_413] : memref<1024x64xf32, #tpu.memory_space<vmem>> -> memref<128x64xf32, #tpu.memory_space<vmem>>
    %dma_wait3A_415 = arith.constant 0 : i32
    %dma_wait3A_416 = tpu.memref_slice %arg8[%dma_wait3A_410, %dma_wait3A_415] : memref<16x128xi32, #tpu.memory_space<vmem>> -> memref<1x128xi32, #tpu.memory_space<vmem>>
    %dma_wait3A_417 = tpu.memref_squeeze %dma_wait3A_416 : memref<1x128xi32, #tpu.memory_space<vmem>> -> memref<128xi32, #tpu.memory_space<vmem>>
    %dma_wait3A_418 = arith.constant 0 : i32
    %dma_wait3A_419 = arith.constant 0 : i32
    %dma_wait3A_420 = tpu.memref_slice %arg9[%dma_wait3A_418, %dma_wait3A_419] : memref<1024x64xf32, #tpu.memory_space<vmem_shared>> -> memref<1024x64xf32, #tpu.memory_space<vmem_shared>>
    %dma_wait3A_421 = tpu.memref_slice %arg10[%dma_wait3A_411] : memref<27x!tpu.dma_semaphore, #tpu.memory_space<semaphore_mem>> -> memref<1x!tpu.dma_semaphore, #tpu.memory_space<semaphore_mem>>
    %dma_wait3A_422 = tpu.memref_squeeze %dma_wait3A_421 : memref<1x!tpu.dma_semaphore, #tpu.memory_space<semaphore_mem>> -> memref<!tpu.dma_semaphore, #tpu.memory_space<semaphore_mem>>
    tpu.wait_indirect_dma semaphore(%dma_wait3A_422 : memref<!tpu.dma_semaphore, #tpu.memory_space<semaphore_mem>>) src(%dma_wait3A_414 : memref<128x64xf32, #tpu.memory_space<vmem>>) dst(%dma_wait3A_420 : memref<1024x64xf32, #tpu.memory_space<vmem_shared>>)
    %dma_wait3A_423 = arith.constant 6 : i32
    %dma_wait3A_424 = arith.constant 22 : i32
    %dma_wait3A_425 = arith.constant 768 : i32
    %dma_wait3A_426 = arith.constant 0 : i32
    %dma_wait3A_427 = tpu.memref_slice %arg6[%dma_wait3A_425, %dma_wait3A_426] : memref<1024x64xf32, #tpu.memory_space<vmem>> -> memref<128x64xf32, #tpu.memory_space<vmem>>
    %dma_wait3A_428 = arith.constant 0 : i32
    %dma_wait3A_429 = tpu.memref_slice %arg8[%dma_wait3A_423, %dma_wait3A_428] : memref<16x128xi32, #tpu.memory_space<vmem>> -> memref<1x128xi32, #tpu.memory_space<vmem>>
    %dma_wait3A_430 = tpu.memref_squeeze %dma_wait3A_429 : memref<1x128xi32, #tpu.memory_space<vmem>> -> memref<128xi32, #tpu.memory_space<vmem>>
    %dma_wait3A_431 = arith.constant 0 : i32
    %dma_wait3A_432 = arith.constant 0 : i32
    %dma_wait3A_433 = tpu.memref_slice %arg9[%dma_wait3A_431, %dma_wait3A_432] : memref<1024x64xf32, #tpu.memory_space<vmem_shared>> -> memref<1024x64xf32, #tpu.memory_space<vmem_shared>>
    %dma_wait3A_434 = tpu.memref_slice %arg10[%dma_wait3A_424] : memref<27x!tpu.dma_semaphore, #tpu.memory_space<semaphore_mem>> -> memref<1x!tpu.dma_semaphore, #tpu.memory_space<semaphore_mem>>
    %dma_wait3A_435 = tpu.memref_squeeze %dma_wait3A_434 : memref<1x!tpu.dma_semaphore, #tpu.memory_space<semaphore_mem>> -> memref<!tpu.dma_semaphore, #tpu.memory_space<semaphore_mem>>
    tpu.wait_indirect_dma semaphore(%dma_wait3A_435 : memref<!tpu.dma_semaphore, #tpu.memory_space<semaphore_mem>>) src(%dma_wait3A_427 : memref<128x64xf32, #tpu.memory_space<vmem>>) dst(%dma_wait3A_433 : memref<1024x64xf32, #tpu.memory_space<vmem_shared>>)
    %dma_wait3A_436 = arith.constant 7 : i32
    %dma_wait3A_437 = arith.constant 23 : i32
    %dma_wait3A_438 = arith.constant 896 : i32
    %dma_wait3A_439 = arith.constant 0 : i32
    %dma_wait3A_440 = tpu.memref_slice %arg6[%dma_wait3A_438, %dma_wait3A_439] : memref<1024x64xf32, #tpu.memory_space<vmem>> -> memref<128x64xf32, #tpu.memory_space<vmem>>
    %dma_wait3A_441 = arith.constant 0 : i32
    %dma_wait3A_442 = tpu.memref_slice %arg8[%dma_wait3A_436, %dma_wait3A_441] : memref<16x128xi32, #tpu.memory_space<vmem>> -> memref<1x128xi32, #tpu.memory_space<vmem>>
    %dma_wait3A_443 = tpu.memref_squeeze %dma_wait3A_442 : memref<1x128xi32, #tpu.memory_space<vmem>> -> memref<128xi32, #tpu.memory_space<vmem>>
    %dma_wait3A_444 = arith.constant 0 : i32
    %dma_wait3A_445 = arith.constant 0 : i32
    %dma_wait3A_446 = tpu.memref_slice %arg9[%dma_wait3A_444, %dma_wait3A_445] : memref<1024x64xf32, #tpu.memory_space<vmem_shared>> -> memref<1024x64xf32, #tpu.memory_space<vmem_shared>>
    %dma_wait3A_447 = tpu.memref_slice %arg10[%dma_wait3A_437] : memref<27x!tpu.dma_semaphore, #tpu.memory_space<semaphore_mem>> -> memref<1x!tpu.dma_semaphore, #tpu.memory_space<semaphore_mem>>
    %dma_wait3A_448 = tpu.memref_squeeze %dma_wait3A_447 : memref<1x!tpu.dma_semaphore, #tpu.memory_space<semaphore_mem>> -> memref<!tpu.dma_semaphore, #tpu.memory_space<semaphore_mem>>
    tpu.wait_indirect_dma semaphore(%dma_wait3A_448 : memref<!tpu.dma_semaphore, #tpu.memory_space<semaphore_mem>>) src(%dma_wait3A_440 : memref<128x64xf32, #tpu.memory_space<vmem>>) dst(%dma_wait3A_446 : memref<1024x64xf32, #tpu.memory_space<vmem_shared>>)
    %dma_wait3A_449 = arith.constant 25 : i32
    %dma_wait3A_450 = arith.constant 8 : i32
    %dma_wait3A_451 = arith.constant 0 : i32
    %dma_wait3A_452 = tpu.memref_slice %arg8[%dma_wait3A_450, %dma_wait3A_451] : memref<16x128xi32, #tpu.memory_space<vmem>> -> memref<8x128xi32, #tpu.memory_space<vmem>>
    %dma_wait3A_453 = arith.constant 0 : i32
    %dma_wait3A_454 = tpu.memref_slice %arg4[%mul3A_4, %dma_wait3A_453] : memref<128x128xi32, #tpu.memory_space<hbm>> -> memref<8x128xi32, #tpu.memory_space<hbm>>
    %dma_wait3A_455 = tpu.memref_slice %arg10[%dma_wait3A_449] : memref<27x!tpu.dma_semaphore, #tpu.memory_space<semaphore_mem>> -> memref<1x!tpu.dma_semaphore, #tpu.memory_space<semaphore_mem>>
    %dma_wait3A_456 = tpu.memref_squeeze %dma_wait3A_455 : memref<1x!tpu.dma_semaphore, #tpu.memory_space<semaphore_mem>> -> memref<!tpu.dma_semaphore, #tpu.memory_space<semaphore_mem>>
    %dma_wait3A_457 = arith.constant 8 : i32
    %dma_wait3A_458 = arith.constant 0 : i32
    %dma_wait3A_459 = tpu.memref_slice %arg8[%dma_wait3A_457, %dma_wait3A_458] : memref<16x128xi32, #tpu.memory_space<vmem>> -> memref<8x128xi32, #tpu.memory_space<vmem>>
    %dma_wait3A_460 = arith.constant 0 : i32
    %dma_wait3A_461 = tpu.memref_slice %arg4[%mul3A_4, %dma_wait3A_460] : memref<128x128xi32, #tpu.memory_space<hbm>> -> memref<8x128xi32, #tpu.memory_space<hbm>>
    tpu.wait_dma2 semaphore(%dma_wait3A_456 : memref<!tpu.dma_semaphore, #tpu.memory_space<semaphore_mem>>) src(%dma_wait3A_461 : memref<8x128xi32, #tpu.memory_space<hbm>>) dst(%dma_wait3A_459 : memref<8x128xi32, #tpu.memory_space<vmem>>)
    %barrier3A_462 = arith.constant 0 : index
    tpu.barrier barrier_id(%barrier3A_462)
    %dma_start3A_463 = arith.constant 8 : i32
    %dma_start3A_464 = arith.constant 8 : i32
    %dma_start3A_465 = arith.constant 0 : i32
    %dma_start3A_466 = arith.constant 0 : i32
    %dma_start3A_467 = tpu.memref_slice %arg6[%dma_start3A_465, %dma_start3A_466] : memref<1024x64xf32, #tpu.memory_space<vmem>> -> memref<128x64xf32, #tpu.memory_space<vmem>>
    %dma_start3A_468 = arith.constant 0 : i32
    %dma_start3A_469 = tpu.memref_slice %arg8[%dma_start3A_463, %dma_start3A_468] : memref<16x128xi32, #tpu.memory_space<vmem>> -> memref<1x128xi32, #tpu.memory_space<vmem>>
    %dma_start3A_470 = tpu.memref_squeeze %dma_start3A_469 : memref<1x128xi32, #tpu.memory_space<vmem>> -> memref<128xi32, #tpu.memory_space<vmem>>
    %dma_start3A_471 = arith.constant 0 : i32
    %dma_start3A_472 = arith.constant 0 : i32
    %dma_start3A_473 = tpu.memref_slice %arg9[%dma_start3A_471, %dma_start3A_472] : memref<1024x64xf32, #tpu.memory_space<vmem_shared>> -> memref<1024x64xf32, #tpu.memory_space<vmem_shared>>
    %dma_start3A_474 = tpu.memref_slice %arg10[%dma_start3A_464] : memref<27x!tpu.dma_semaphore, #tpu.memory_space<semaphore_mem>> -> memref<1x!tpu.dma_semaphore, #tpu.memory_space<semaphore_mem>>
    %dma_start3A_475 = tpu.memref_squeeze %dma_start3A_474 : memref<1x!tpu.dma_semaphore, #tpu.memory_space<semaphore_mem>> -> memref<!tpu.dma_semaphore, #tpu.memory_space<semaphore_mem>>
    tpu.enqueue_indirect_dma source(%dma_start3A_473 : memref<1024x64xf32, #tpu.memory_space<vmem_shared>>) target(%dma_start3A_467 : memref<128x64xf32, #tpu.memory_space<vmem>>) offsets(%dma_start3A_470 : memref<128xi32, #tpu.memory_space<vmem>>) semaphore(%dma_start3A_475 : memref<!tpu.dma_semaphore, #tpu.memory_space<semaphore_mem>>)
    %dma_start3A_476 = arith.constant 9 : i32
    %dma_start3A_477 = arith.constant 9 : i32
    %dma_start3A_478 = arith.constant 128 : i32
    %dma_start3A_479 = arith.constant 0 : i32
    %dma_start3A_480 = tpu.memref_slice %arg6[%dma_start3A_478, %dma_start3A_479] : memref<1024x64xf32, #tpu.memory_space<vmem>> -> memref<128x64xf32, #tpu.memory_space<vmem>>
    %dma_start3A_481 = arith.constant 0 : i32
    %dma_start3A_482 = tpu.memref_slice %arg8[%dma_start3A_476, %dma_start3A_481] : memref<16x128xi32, #tpu.memory_space<vmem>> -> memref<1x128xi32, #tpu.memory_space<vmem>>
    %dma_start3A_483 = tpu.memref_squeeze %dma_start3A_482 : memref<1x128xi32, #tpu.memory_space<vmem>> -> memref<128xi32, #tpu.memory_space<vmem>>
    %dma_start3A_484 = arith.constant 0 : i32
    %dma_start3A_485 = arith.constant 0 : i32
    %dma_start3A_486 = tpu.memref_slice %arg9[%dma_start3A_484, %dma_start3A_485] : memref<1024x64xf32, #tpu.memory_space<vmem_shared>> -> memref<1024x64xf32, #tpu.memory_space<vmem_shared>>
    %dma_start3A_487 = tpu.memref_slice %arg10[%dma_start3A_477] : memref<27x!tpu.dma_semaphore, #tpu.memory_space<semaphore_mem>> -> memref<1x!tpu.dma_semaphore, #tpu.memory_space<semaphore_mem>>
    %dma_start3A_488 = tpu.memref_squeeze %dma_start3A_487 : memref<1x!tpu.dma_semaphore, #tpu.memory_space<semaphore_mem>> -> memref<!tpu.dma_semaphore, #tpu.memory_space<semaphore_mem>>
    tpu.enqueue_indirect_dma source(%dma_start3A_486 : memref<1024x64xf32, #tpu.memory_space<vmem_shared>>) target(%dma_start3A_480 : memref<128x64xf32, #tpu.memory_space<vmem>>) offsets(%dma_start3A_483 : memref<128xi32, #tpu.memory_space<vmem>>) semaphore(%dma_start3A_488 : memref<!tpu.dma_semaphore, #tpu.memory_space<semaphore_mem>>)
    %dma_start3A_489 = arith.constant 10 : i32
    %dma_start3A_490 = arith.constant 10 : i32
    %dma_start3A_491 = arith.constant 256 : i32
    %dma_start3A_492 = arith.constant 0 : i32
    %dma_start3A_493 = tpu.memref_slice %arg6[%dma_start3A_491, %dma_start3A_492] : memref<1024x64xf32, #tpu.memory_space<vmem>> -> memref<128x64xf32, #tpu.memory_space<vmem>>
    %dma_start3A_494 = arith.constant 0 : i32
    %dma_start3A_495 = tpu.memref_slice %arg8[%dma_start3A_489, %dma_start3A_494] : memref<16x128xi32, #tpu.memory_space<vmem>> -> memref<1x128xi32, #tpu.memory_space<vmem>>
    %dma_start3A_496 = tpu.memref_squeeze %dma_start3A_495 : memref<1x128xi32, #tpu.memory_space<vmem>> -> memref<128xi32, #tpu.memory_space<vmem>>
    %dma_start3A_497 = arith.constant 0 : i32
    %dma_start3A_498 = arith.constant 0 : i32
    %dma_start3A_499 = tpu.memref_slice %arg9[%dma_start3A_497, %dma_start3A_498] : memref<1024x64xf32, #tpu.memory_space<vmem_shared>> -> memref<1024x64xf32, #tpu.memory_space<vmem_shared>>
    %dma_start3A_500 = tpu.memref_slice %arg10[%dma_start3A_490] : memref<27x!tpu.dma_semaphore, #tpu.memory_space<semaphore_mem>> -> memref<1x!tpu.dma_semaphore, #tpu.memory_space<semaphore_mem>>
    %dma_start3A_501 = tpu.memref_squeeze %dma_start3A_500 : memref<1x!tpu.dma_semaphore, #tpu.memory_space<semaphore_mem>> -> memref<!tpu.dma_semaphore, #tpu.memory_space<semaphore_mem>>
    tpu.enqueue_indirect_dma source(%dma_start3A_499 : memref<1024x64xf32, #tpu.memory_space<vmem_shared>>) target(%dma_start3A_493 : memref<128x64xf32, #tpu.memory_space<vmem>>) offsets(%dma_start3A_496 : memref<128xi32, #tpu.memory_space<vmem>>) semaphore(%dma_start3A_501 : memref<!tpu.dma_semaphore, #tpu.memory_space<semaphore_mem>>)
    %dma_start3A_502 = arith.constant 11 : i32
    %dma_start3A_503 = arith.constant 11 : i32
    %dma_start3A_504 = arith.constant 384 : i32
    %dma_start3A_505 = arith.constant 0 : i32
    %dma_start3A_506 = tpu.memref_slice %arg6[%dma_start3A_504, %dma_start3A_505] : memref<1024x64xf32, #tpu.memory_space<vmem>> -> memref<128x64xf32, #tpu.memory_space<vmem>>
    %dma_start3A_507 = arith.constant 0 : i32
    %dma_start3A_508 = tpu.memref_slice %arg8[%dma_start3A_502, %dma_start3A_507] : memref<16x128xi32, #tpu.memory_space<vmem>> -> memref<1x128xi32, #tpu.memory_space<vmem>>
    %dma_start3A_509 = tpu.memref_squeeze %dma_start3A_508 : memref<1x128xi32, #tpu.memory_space<vmem>> -> memref<128xi32, #tpu.memory_space<vmem>>
    %dma_start3A_510 = arith.constant 0 : i32
    %dma_start3A_511 = arith.constant 0 : i32
    %dma_start3A_512 = tpu.memref_slice %arg9[%dma_start3A_510, %dma_start3A_511] : memref<1024x64xf32, #tpu.memory_space<vmem_shared>> -> memref<1024x64xf32, #tpu.memory_space<vmem_shared>>
    %dma_start3A_513 = tpu.memref_slice %arg10[%dma_start3A_503] : memref<27x!tpu.dma_semaphore, #tpu.memory_space<semaphore_mem>> -> memref<1x!tpu.dma_semaphore, #tpu.memory_space<semaphore_mem>>
    %dma_start3A_514 = tpu.memref_squeeze %dma_start3A_513 : memref<1x!tpu.dma_semaphore, #tpu.memory_space<semaphore_mem>> -> memref<!tpu.dma_semaphore, #tpu.memory_space<semaphore_mem>>
    tpu.enqueue_indirect_dma source(%dma_start3A_512 : memref<1024x64xf32, #tpu.memory_space<vmem_shared>>) target(%dma_start3A_506 : memref<128x64xf32, #tpu.memory_space<vmem>>) offsets(%dma_start3A_509 : memref<128xi32, #tpu.memory_space<vmem>>) semaphore(%dma_start3A_514 : memref<!tpu.dma_semaphore, #tpu.memory_space<semaphore_mem>>)
    %dma_start3A_515 = arith.constant 12 : i32
    %dma_start3A_516 = arith.constant 12 : i32
    %dma_start3A_517 = arith.constant 512 : i32
    %dma_start3A_518 = arith.constant 0 : i32
    %dma_start3A_519 = tpu.memref_slice %arg6[%dma_start3A_517, %dma_start3A_518] : memref<1024x64xf32, #tpu.memory_space<vmem>> -> memref<128x64xf32, #tpu.memory_space<vmem>>
    %dma_start3A_520 = arith.constant 0 : i32
    %dma_start3A_521 = tpu.memref_slice %arg8[%dma_start3A_515, %dma_start3A_520] : memref<16x128xi32, #tpu.memory_space<vmem>> -> memref<1x128xi32, #tpu.memory_space<vmem>>
    %dma_start3A_522 = tpu.memref_squeeze %dma_start3A_521 : memref<1x128xi32, #tpu.memory_space<vmem>> -> memref<128xi32, #tpu.memory_space<vmem>>
    %dma_start3A_523 = arith.constant 0 : i32
    %dma_start3A_524 = arith.constant 0 : i32
    %dma_start3A_525 = tpu.memref_slice %arg9[%dma_start3A_523, %dma_start3A_524] : memref<1024x64xf32, #tpu.memory_space<vmem_shared>> -> memref<1024x64xf32, #tpu.memory_space<vmem_shared>>
    %dma_start3A_526 = tpu.memref_slice %arg10[%dma_start3A_516] : memref<27x!tpu.dma_semaphore, #tpu.memory_space<semaphore_mem>> -> memref<1x!tpu.dma_semaphore, #tpu.memory_space<semaphore_mem>>
    %dma_start3A_527 = tpu.memref_squeeze %dma_start3A_526 : memref<1x!tpu.dma_semaphore, #tpu.memory_space<semaphore_mem>> -> memref<!tpu.dma_semaphore, #tpu.memory_space<semaphore_mem>>
    tpu.enqueue_indirect_dma source(%dma_start3A_525 : memref<1024x64xf32, #tpu.memory_space<vmem_shared>>) target(%dma_start3A_519 : memref<128x64xf32, #tpu.memory_space<vmem>>) offsets(%dma_start3A_522 : memref<128xi32, #tpu.memory_space<vmem>>) semaphore(%dma_start3A_527 : memref<!tpu.dma_semaphore, #tpu.memory_space<semaphore_mem>>)
    %dma_start3A_528 = arith.constant 13 : i32
    %dma_start3A_529 = arith.constant 13 : i32
    %dma_start3A_530 = arith.constant 640 : i32
    %dma_start3A_531 = arith.constant 0 : i32
    %dma_start3A_532 = tpu.memref_slice %arg6[%dma_start3A_530, %dma_start3A_531] : memref<1024x64xf32, #tpu.memory_space<vmem>> -> memref<128x64xf32, #tpu.memory_space<vmem>>
    %dma_start3A_533 = arith.constant 0 : i32
    %dma_start3A_534 = tpu.memref_slice %arg8[%dma_start3A_528, %dma_start3A_533] : memref<16x128xi32, #tpu.memory_space<vmem>> -> memref<1x128xi32, #tpu.memory_space<vmem>>
    %dma_start3A_535 = tpu.memref_squeeze %dma_start3A_534 : memref<1x128xi32, #tpu.memory_space<vmem>> -> memref<128xi32, #tpu.memory_space<vmem>>
    %dma_start3A_536 = arith.constant 0 : i32
    %dma_start3A_537 = arith.constant 0 : i32
    %dma_start3A_538 = tpu.memref_slice %arg9[%dma_start3A_536, %dma_start3A_537] : memref<1024x64xf32, #tpu.memory_space<vmem_shared>> -> memref<1024x64xf32, #tpu.memory_space<vmem_shared>>
    %dma_start3A_539 = tpu.memref_slice %arg10[%dma_start3A_529] : memref<27x!tpu.dma_semaphore, #tpu.memory_space<semaphore_mem>> -> memref<1x!tpu.dma_semaphore, #tpu.memory_space<semaphore_mem>>
    %dma_start3A_540 = tpu.memref_squeeze %dma_start3A_539 : memref<1x!tpu.dma_semaphore, #tpu.memory_space<semaphore_mem>> -> memref<!tpu.dma_semaphore, #tpu.memory_space<semaphore_mem>>
    tpu.enqueue_indirect_dma source(%dma_start3A_538 : memref<1024x64xf32, #tpu.memory_space<vmem_shared>>) target(%dma_start3A_532 : memref<128x64xf32, #tpu.memory_space<vmem>>) offsets(%dma_start3A_535 : memref<128xi32, #tpu.memory_space<vmem>>) semaphore(%dma_start3A_540 : memref<!tpu.dma_semaphore, #tpu.memory_space<semaphore_mem>>)
    %dma_start3A_541 = arith.constant 14 : i32
    %dma_start3A_542 = arith.constant 14 : i32
    %dma_start3A_543 = arith.constant 768 : i32
    %dma_start3A_544 = arith.constant 0 : i32
    %dma_start3A_545 = tpu.memref_slice %arg6[%dma_start3A_543, %dma_start3A_544] : memref<1024x64xf32, #tpu.memory_space<vmem>> -> memref<128x64xf32, #tpu.memory_space<vmem>>
    %dma_start3A_546 = arith.constant 0 : i32
    %dma_start3A_547 = tpu.memref_slice %arg8[%dma_start3A_541, %dma_start3A_546] : memref<16x128xi32, #tpu.memory_space<vmem>> -> memref<1x128xi32, #tpu.memory_space<vmem>>
    %dma_start3A_548 = tpu.memref_squeeze %dma_start3A_547 : memref<1x128xi32, #tpu.memory_space<vmem>> -> memref<128xi32, #tpu.memory_space<vmem>>
    %dma_start3A_549 = arith.constant 0 : i32
    %dma_start3A_550 = arith.constant 0 : i32
    %dma_start3A_551 = tpu.memref_slice %arg9[%dma_start3A_549, %dma_start3A_550] : memref<1024x64xf32, #tpu.memory_space<vmem_shared>> -> memref<1024x64xf32, #tpu.memory_space<vmem_shared>>
    %dma_start3A_552 = tpu.memref_slice %arg10[%dma_start3A_542] : memref<27x!tpu.dma_semaphore, #tpu.memory_space<semaphore_mem>> -> memref<1x!tpu.dma_semaphore, #tpu.memory_space<semaphore_mem>>
    %dma_start3A_553 = tpu.memref_squeeze %dma_start3A_552 : memref<1x!tpu.dma_semaphore, #tpu.memory_space<semaphore_mem>> -> memref<!tpu.dma_semaphore, #tpu.memory_space<semaphore_mem>>
    tpu.enqueue_indirect_dma source(%dma_start3A_551 : memref<1024x64xf32, #tpu.memory_space<vmem_shared>>) target(%dma_start3A_545 : memref<128x64xf32, #tpu.memory_space<vmem>>) offsets(%dma_start3A_548 : memref<128xi32, #tpu.memory_space<vmem>>) semaphore(%dma_start3A_553 : memref<!tpu.dma_semaphore, #tpu.memory_space<semaphore_mem>>)
    %dma_start3A_554 = arith.constant 15 : i32
    %dma_start3A_555 = arith.constant 15 : i32
    %dma_start3A_556 = arith.constant 896 : i32
    %dma_start3A_557 = arith.constant 0 : i32
    %dma_start3A_558 = tpu.memref_slice %arg6[%dma_start3A_556, %dma_start3A_557] : memref<1024x64xf32, #tpu.memory_space<vmem>> -> memref<128x64xf32, #tpu.memory_space<vmem>>
    %dma_start3A_559 = arith.constant 0 : i32
    %dma_start3A_560 = tpu.memref_slice %arg8[%dma_start3A_554, %dma_start3A_559] : memref<16x128xi32, #tpu.memory_space<vmem>> -> memref<1x128xi32, #tpu.memory_space<vmem>>
    %dma_start3A_561 = tpu.memref_squeeze %dma_start3A_560 : memref<1x128xi32, #tpu.memory_space<vmem>> -> memref<128xi32, #tpu.memory_space<vmem>>
    %dma_start3A_562 = arith.constant 0 : i32
    %dma_start3A_563 = arith.constant 0 : i32
    %dma_start3A_564 = tpu.memref_slice %arg9[%dma_start3A_562, %dma_start3A_563] : memref<1024x64xf32, #tpu.memory_space<vmem_shared>> -> memref<1024x64xf32, #tpu.memory_space<vmem_shared>>
    %dma_start3A_565 = tpu.memref_slice %arg10[%dma_start3A_555] : memref<27x!tpu.dma_semaphore, #tpu.memory_space<semaphore_mem>> -> memref<1x!tpu.dma_semaphore, #tpu.memory_space<semaphore_mem>>
    %dma_start3A_566 = tpu.memref_squeeze %dma_start3A_565 : memref<1x!tpu.dma_semaphore, #tpu.memory_space<semaphore_mem>> -> memref<!tpu.dma_semaphore, #tpu.memory_space<semaphore_mem>>
    tpu.enqueue_indirect_dma source(%dma_start3A_564 : memref<1024x64xf32, #tpu.memory_space<vmem_shared>>) target(%dma_start3A_558 : memref<128x64xf32, #tpu.memory_space<vmem>>) offsets(%dma_start3A_561 : memref<128xi32, #tpu.memory_space<vmem>>) semaphore(%dma_start3A_566 : memref<!tpu.dma_semaphore, #tpu.memory_space<semaphore_mem>>)
    %dma_wait3A_567 = arith.constant 8 : i32
    %dma_wait3A_568 = arith.constant 8 : i32
    %dma_wait3A_569 = arith.constant 0 : i32
    %dma_wait3A_570 = arith.constant 0 : i32
    %dma_wait3A_571 = tpu.memref_slice %arg6[%dma_wait3A_569, %dma_wait3A_570] : memref<1024x64xf32, #tpu.memory_space<vmem>> -> memref<128x64xf32, #tpu.memory_space<vmem>>
    %dma_wait3A_572 = arith.constant 0 : i32
    %dma_wait3A_573 = tpu.memref_slice %arg8[%dma_wait3A_567, %dma_wait3A_572] : memref<16x128xi32, #tpu.memory_space<vmem>> -> memref<1x128xi32, #tpu.memory_space<vmem>>
    %dma_wait3A_574 = tpu.memref_squeeze %dma_wait3A_573 : memref<1x128xi32, #tpu.memory_space<vmem>> -> memref<128xi32, #tpu.memory_space<vmem>>
    %dma_wait3A_575 = arith.constant 0 : i32
    %dma_wait3A_576 = arith.constant 0 : i32
    %dma_wait3A_577 = tpu.memref_slice %arg9[%dma_wait3A_575, %dma_wait3A_576] : memref<1024x64xf32, #tpu.memory_space<vmem_shared>> -> memref<1024x64xf32, #tpu.memory_space<vmem_shared>>
    %dma_wait3A_578 = tpu.memref_slice %arg10[%dma_wait3A_568] : memref<27x!tpu.dma_semaphore, #tpu.memory_space<semaphore_mem>> -> memref<1x!tpu.dma_semaphore, #tpu.memory_space<semaphore_mem>>
    %dma_wait3A_579 = tpu.memref_squeeze %dma_wait3A_578 : memref<1x!tpu.dma_semaphore, #tpu.memory_space<semaphore_mem>> -> memref<!tpu.dma_semaphore, #tpu.memory_space<semaphore_mem>>
    tpu.wait_indirect_dma semaphore(%dma_wait3A_579 : memref<!tpu.dma_semaphore, #tpu.memory_space<semaphore_mem>>) src(%dma_wait3A_577 : memref<1024x64xf32, #tpu.memory_space<vmem_shared>>) dst(%dma_wait3A_571 : memref<128x64xf32, #tpu.memory_space<vmem>>)
    %add3A_580 = arith.constant 0 : i32
    %add3A_581 = arith.addi %mul3A_2, %add3A_580 : i32
    %dma_start3A_582 = arith.constant 26 : i32
    %dma_start3A_583 = arith.constant 0 : i32
    %dma_start3A_584 = arith.constant 0 : i32
    %dma_start3A_585 = tpu.memref_slice %arg6[%dma_start3A_583, %dma_start3A_584] : memref<1024x64xf32, #tpu.memory_space<vmem>> -> memref<128x64xf32, #tpu.memory_space<vmem>>
    %dma_start3A_586 = tpu.memref_slice %arg5[%add3A_581, %mul3A_0] : memref<16384x128xf32, #tpu.memory_space<hbm>> -> memref<128x64xf32, #tpu.memory_space<hbm>>
    %dma_start3A_587 = tpu.memref_slice %arg10[%dma_start3A_582] : memref<27x!tpu.dma_semaphore, #tpu.memory_space<semaphore_mem>> -> memref<1x!tpu.dma_semaphore, #tpu.memory_space<semaphore_mem>>
    %dma_start3A_588 = tpu.memref_squeeze %dma_start3A_587 : memref<1x!tpu.dma_semaphore, #tpu.memory_space<semaphore_mem>> -> memref<!tpu.dma_semaphore, #tpu.memory_space<semaphore_mem>>
    %dma_start3A_589 = tpu.memref_slice %arg5[%add3A_581, %mul3A_0] : memref<16384x128xf32, #tpu.memory_space<hbm>> -> memref<128x64xf32, #tpu.memory_space<hbm>>
    %dma_start3A_590 = arith.constant 0 : i32
    %dma_start3A_591 = arith.constant 0 : i32
    %dma_start3A_592 = tpu.memref_slice %arg6[%dma_start3A_590, %dma_start3A_591] : memref<1024x64xf32, #tpu.memory_space<vmem>> -> memref<128x64xf32, #tpu.memory_space<vmem>>
    tpu.enqueue_dma source(%dma_start3A_592 : memref<128x64xf32, #tpu.memory_space<vmem>>) target(%dma_start3A_589 : memref<128x64xf32, #tpu.memory_space<hbm>>) target_semaphore(%dma_start3A_588 : memref<!tpu.dma_semaphore, #tpu.memory_space<semaphore_mem>>)
    %dma_wait3A_593 = arith.constant 9 : i32
    %dma_wait3A_594 = arith.constant 9 : i32
    %dma_wait3A_595 = arith.constant 128 : i32
    %dma_wait3A_596 = arith.constant 0 : i32
    %dma_wait3A_597 = tpu.memref_slice %arg6[%dma_wait3A_595, %dma_wait3A_596] : memref<1024x64xf32, #tpu.memory_space<vmem>> -> memref<128x64xf32, #tpu.memory_space<vmem>>
    %dma_wait3A_598 = arith.constant 0 : i32
    %dma_wait3A_599 = tpu.memref_slice %arg8[%dma_wait3A_593, %dma_wait3A_598] : memref<16x128xi32, #tpu.memory_space<vmem>> -> memref<1x128xi32, #tpu.memory_space<vmem>>
    %dma_wait3A_600 = tpu.memref_squeeze %dma_wait3A_599 : memref<1x128xi32, #tpu.memory_space<vmem>> -> memref<128xi32, #tpu.memory_space<vmem>>
    %dma_wait3A_601 = arith.constant 0 : i32
    %dma_wait3A_602 = arith.constant 0 : i32
    %dma_wait3A_603 = tpu.memref_slice %arg9[%dma_wait3A_601, %dma_wait3A_602] : memref<1024x64xf32, #tpu.memory_space<vmem_shared>> -> memref<1024x64xf32, #tpu.memory_space<vmem_shared>>
    %dma_wait3A_604 = tpu.memref_slice %arg10[%dma_wait3A_594] : memref<27x!tpu.dma_semaphore, #tpu.memory_space<semaphore_mem>> -> memref<1x!tpu.dma_semaphore, #tpu.memory_space<semaphore_mem>>
    %dma_wait3A_605 = tpu.memref_squeeze %dma_wait3A_604 : memref<1x!tpu.dma_semaphore, #tpu.memory_space<semaphore_mem>> -> memref<!tpu.dma_semaphore, #tpu.memory_space<semaphore_mem>>
    tpu.wait_indirect_dma semaphore(%dma_wait3A_605 : memref<!tpu.dma_semaphore, #tpu.memory_space<semaphore_mem>>) src(%dma_wait3A_603 : memref<1024x64xf32, #tpu.memory_space<vmem_shared>>) dst(%dma_wait3A_597 : memref<128x64xf32, #tpu.memory_space<vmem>>)
    %add3A_606 = arith.constant 128 : i32
    %add3A_607 = arith.addi %mul3A_2, %add3A_606 : i32
    %dma_start3A_608 = arith.constant 26 : i32
    %dma_start3A_609 = arith.constant 128 : i32
    %dma_start3A_610 = arith.constant 0 : i32
    %dma_start3A_611 = tpu.memref_slice %arg6[%dma_start3A_609, %dma_start3A_610] : memref<1024x64xf32, #tpu.memory_space<vmem>> -> memref<128x64xf32, #tpu.memory_space<vmem>>
    %dma_start3A_612 = tpu.memref_slice %arg5[%add3A_607, %mul3A_0] : memref<16384x128xf32, #tpu.memory_space<hbm>> -> memref<128x64xf32, #tpu.memory_space<hbm>>
    %dma_start3A_613 = tpu.memref_slice %arg10[%dma_start3A_608] : memref<27x!tpu.dma_semaphore, #tpu.memory_space<semaphore_mem>> -> memref<1x!tpu.dma_semaphore, #tpu.memory_space<semaphore_mem>>
    %dma_start3A_614 = tpu.memref_squeeze %dma_start3A_613 : memref<1x!tpu.dma_semaphore, #tpu.memory_space<semaphore_mem>> -> memref<!tpu.dma_semaphore, #tpu.memory_space<semaphore_mem>>
    %dma_start3A_615 = tpu.memref_slice %arg5[%add3A_607, %mul3A_0] : memref<16384x128xf32, #tpu.memory_space<hbm>> -> memref<128x64xf32, #tpu.memory_space<hbm>>
    %dma_start3A_616 = arith.constant 128 : i32
    %dma_start3A_617 = arith.constant 0 : i32
    %dma_start3A_618 = tpu.memref_slice %arg6[%dma_start3A_616, %dma_start3A_617] : memref<1024x64xf32, #tpu.memory_space<vmem>> -> memref<128x64xf32, #tpu.memory_space<vmem>>
    tpu.enqueue_dma source(%dma_start3A_618 : memref<128x64xf32, #tpu.memory_space<vmem>>) target(%dma_start3A_615 : memref<128x64xf32, #tpu.memory_space<hbm>>) target_semaphore(%dma_start3A_614 : memref<!tpu.dma_semaphore, #tpu.memory_space<semaphore_mem>>)
    %dma_wait3A_619 = arith.constant 10 : i32
    %dma_wait3A_620 = arith.constant 10 : i32
    %dma_wait3A_621 = arith.constant 256 : i32
    %dma_wait3A_622 = arith.constant 0 : i32
    %dma_wait3A_623 = tpu.memref_slice %arg6[%dma_wait3A_621, %dma_wait3A_622] : memref<1024x64xf32, #tpu.memory_space<vmem>> -> memref<128x64xf32, #tpu.memory_space<vmem>>
    %dma_wait3A_624 = arith.constant 0 : i32
    %dma_wait3A_625 = tpu.memref_slice %arg8[%dma_wait3A_619, %dma_wait3A_624] : memref<16x128xi32, #tpu.memory_space<vmem>> -> memref<1x128xi32, #tpu.memory_space<vmem>>
    %dma_wait3A_626 = tpu.memref_squeeze %dma_wait3A_625 : memref<1x128xi32, #tpu.memory_space<vmem>> -> memref<128xi32, #tpu.memory_space<vmem>>
    %dma_wait3A_627 = arith.constant 0 : i32
    %dma_wait3A_628 = arith.constant 0 : i32
    %dma_wait3A_629 = tpu.memref_slice %arg9[%dma_wait3A_627, %dma_wait3A_628] : memref<1024x64xf32, #tpu.memory_space<vmem_shared>> -> memref<1024x64xf32, #tpu.memory_space<vmem_shared>>
    %dma_wait3A_630 = tpu.memref_slice %arg10[%dma_wait3A_620] : memref<27x!tpu.dma_semaphore, #tpu.memory_space<semaphore_mem>> -> memref<1x!tpu.dma_semaphore, #tpu.memory_space<semaphore_mem>>
    %dma_wait3A_631 = tpu.memref_squeeze %dma_wait3A_630 : memref<1x!tpu.dma_semaphore, #tpu.memory_space<semaphore_mem>> -> memref<!tpu.dma_semaphore, #tpu.memory_space<semaphore_mem>>
    tpu.wait_indirect_dma semaphore(%dma_wait3A_631 : memref<!tpu.dma_semaphore, #tpu.memory_space<semaphore_mem>>) src(%dma_wait3A_629 : memref<1024x64xf32, #tpu.memory_space<vmem_shared>>) dst(%dma_wait3A_623 : memref<128x64xf32, #tpu.memory_space<vmem>>)
    %add3A_632 = arith.constant 256 : i32
    %add3A_633 = arith.addi %mul3A_2, %add3A_632 : i32
    %dma_start3A_634 = arith.constant 26 : i32
    %dma_start3A_635 = arith.constant 256 : i32
    %dma_start3A_636 = arith.constant 0 : i32
    %dma_start3A_637 = tpu.memref_slice %arg6[%dma_start3A_635, %dma_start3A_636] : memref<1024x64xf32, #tpu.memory_space<vmem>> -> memref<128x64xf32, #tpu.memory_space<vmem>>
    %dma_start3A_638 = tpu.memref_slice %arg5[%add3A_633, %mul3A_0] : memref<16384x128xf32, #tpu.memory_space<hbm>> -> memref<128x64xf32, #tpu.memory_space<hbm>>
    %dma_start3A_639 = tpu.memref_slice %arg10[%dma_start3A_634] : memref<27x!tpu.dma_semaphore, #tpu.memory_space<semaphore_mem>> -> memref<1x!tpu.dma_semaphore, #tpu.memory_space<semaphore_mem>>
    %dma_start3A_640 = tpu.memref_squeeze %dma_start3A_639 : memref<1x!tpu.dma_semaphore, #tpu.memory_space<semaphore_mem>> -> memref<!tpu.dma_semaphore, #tpu.memory_space<semaphore_mem>>
    %dma_start3A_641 = tpu.memref_slice %arg5[%add3A_633, %mul3A_0] : memref<16384x128xf32, #tpu.memory_space<hbm>> -> memref<128x64xf32, #tpu.memory_space<hbm>>
    %dma_start3A_642 = arith.constant 256 : i32
    %dma_start3A_643 = arith.constant 0 : i32
    %dma_start3A_644 = tpu.memref_slice %arg6[%dma_start3A_642, %dma_start3A_643] : memref<1024x64xf32, #tpu.memory_space<vmem>> -> memref<128x64xf32, #tpu.memory_space<vmem>>
    tpu.enqueue_dma source(%dma_start3A_644 : memref<128x64xf32, #tpu.memory_space<vmem>>) target(%dma_start3A_641 : memref<128x64xf32, #tpu.memory_space<hbm>>) target_semaphore(%dma_start3A_640 : memref<!tpu.dma_semaphore, #tpu.memory_space<semaphore_mem>>)
    %dma_wait3A_645 = arith.constant 11 : i32
    %dma_wait3A_646 = arith.constant 11 : i32
    %dma_wait3A_647 = arith.constant 384 : i32
    %dma_wait3A_648 = arith.constant 0 : i32
    %dma_wait3A_649 = tpu.memref_slice %arg6[%dma_wait3A_647, %dma_wait3A_648] : memref<1024x64xf32, #tpu.memory_space<vmem>> -> memref<128x64xf32, #tpu.memory_space<vmem>>
    %dma_wait3A_650 = arith.constant 0 : i32
    %dma_wait3A_651 = tpu.memref_slice %arg8[%dma_wait3A_645, %dma_wait3A_650] : memref<16x128xi32, #tpu.memory_space<vmem>> -> memref<1x128xi32, #tpu.memory_space<vmem>>
    %dma_wait3A_652 = tpu.memref_squeeze %dma_wait3A_651 : memref<1x128xi32, #tpu.memory_space<vmem>> -> memref<128xi32, #tpu.memory_space<vmem>>
    %dma_wait3A_653 = arith.constant 0 : i32
    %dma_wait3A_654 = arith.constant 0 : i32
    %dma_wait3A_655 = tpu.memref_slice %arg9[%dma_wait3A_653, %dma_wait3A_654] : memref<1024x64xf32, #tpu.memory_space<vmem_shared>> -> memref<1024x64xf32, #tpu.memory_space<vmem_shared>>
    %dma_wait3A_656 = tpu.memref_slice %arg10[%dma_wait3A_646] : memref<27x!tpu.dma_semaphore, #tpu.memory_space<semaphore_mem>> -> memref<1x!tpu.dma_semaphore, #tpu.memory_space<semaphore_mem>>
    %dma_wait3A_657 = tpu.memref_squeeze %dma_wait3A_656 : memref<1x!tpu.dma_semaphore, #tpu.memory_space<semaphore_mem>> -> memref<!tpu.dma_semaphore, #tpu.memory_space<semaphore_mem>>
    tpu.wait_indirect_dma semaphore(%dma_wait3A_657 : memref<!tpu.dma_semaphore, #tpu.memory_space<semaphore_mem>>) src(%dma_wait3A_655 : memref<1024x64xf32, #tpu.memory_space<vmem_shared>>) dst(%dma_wait3A_649 : memref<128x64xf32, #tpu.memory_space<vmem>>)
    %add3A_658 = arith.constant 384 : i32
    %add3A_659 = arith.addi %mul3A_2, %add3A_658 : i32
    %dma_start3A_660 = arith.constant 26 : i32
    %dma_start3A_661 = arith.constant 384 : i32
    %dma_start3A_662 = arith.constant 0 : i32
    %dma_start3A_663 = tpu.memref_slice %arg6[%dma_start3A_661, %dma_start3A_662] : memref<1024x64xf32, #tpu.memory_space<vmem>> -> memref<128x64xf32, #tpu.memory_space<vmem>>
    %dma_start3A_664 = tpu.memref_slice %arg5[%add3A_659, %mul3A_0] : memref<16384x128xf32, #tpu.memory_space<hbm>> -> memref<128x64xf32, #tpu.memory_space<hbm>>
    %dma_start3A_665 = tpu.memref_slice %arg10[%dma_start3A_660] : memref<27x!tpu.dma_semaphore, #tpu.memory_space<semaphore_mem>> -> memref<1x!tpu.dma_semaphore, #tpu.memory_space<semaphore_mem>>
    %dma_start3A_666 = tpu.memref_squeeze %dma_start3A_665 : memref<1x!tpu.dma_semaphore, #tpu.memory_space<semaphore_mem>> -> memref<!tpu.dma_semaphore, #tpu.memory_space<semaphore_mem>>
    %dma_start3A_667 = tpu.memref_slice %arg5[%add3A_659, %mul3A_0] : memref<16384x128xf32, #tpu.memory_space<hbm>> -> memref<128x64xf32, #tpu.memory_space<hbm>>
    %dma_start3A_668 = arith.constant 384 : i32
    %dma_start3A_669 = arith.constant 0 : i32
    %dma_start3A_670 = tpu.memref_slice %arg6[%dma_start3A_668, %dma_start3A_669] : memref<1024x64xf32, #tpu.memory_space<vmem>> -> memref<128x64xf32, #tpu.memory_space<vmem>>
    tpu.enqueue_dma source(%dma_start3A_670 : memref<128x64xf32, #tpu.memory_space<vmem>>) target(%dma_start3A_667 : memref<128x64xf32, #tpu.memory_space<hbm>>) target_semaphore(%dma_start3A_666 : memref<!tpu.dma_semaphore, #tpu.memory_space<semaphore_mem>>)
    %dma_wait3A_671 = arith.constant 12 : i32
    %dma_wait3A_672 = arith.constant 12 : i32
    %dma_wait3A_673 = arith.constant 512 : i32
    %dma_wait3A_674 = arith.constant 0 : i32
    %dma_wait3A_675 = tpu.memref_slice %arg6[%dma_wait3A_673, %dma_wait3A_674] : memref<1024x64xf32, #tpu.memory_space<vmem>> -> memref<128x64xf32, #tpu.memory_space<vmem>>
    %dma_wait3A_676 = arith.constant 0 : i32
    %dma_wait3A_677 = tpu.memref_slice %arg8[%dma_wait3A_671, %dma_wait3A_676] : memref<16x128xi32, #tpu.memory_space<vmem>> -> memref<1x128xi32, #tpu.memory_space<vmem>>
    %dma_wait3A_678 = tpu.memref_squeeze %dma_wait3A_677 : memref<1x128xi32, #tpu.memory_space<vmem>> -> memref<128xi32, #tpu.memory_space<vmem>>
    %dma_wait3A_679 = arith.constant 0 : i32
    %dma_wait3A_680 = arith.constant 0 : i32
    %dma_wait3A_681 = tpu.memref_slice %arg9[%dma_wait3A_679, %dma_wait3A_680] : memref<1024x64xf32, #tpu.memory_space<vmem_shared>> -> memref<1024x64xf32, #tpu.memory_space<vmem_shared>>
    %dma_wait3A_682 = tpu.memref_slice %arg10[%dma_wait3A_672] : memref<27x!tpu.dma_semaphore, #tpu.memory_space<semaphore_mem>> -> memref<1x!tpu.dma_semaphore, #tpu.memory_space<semaphore_mem>>
    %dma_wait3A_683 = tpu.memref_squeeze %dma_wait3A_682 : memref<1x!tpu.dma_semaphore, #tpu.memory_space<semaphore_mem>> -> memref<!tpu.dma_semaphore, #tpu.memory_space<semaphore_mem>>
    tpu.wait_indirect_dma semaphore(%dma_wait3A_683 : memref<!tpu.dma_semaphore, #tpu.memory_space<semaphore_mem>>) src(%dma_wait3A_681 : memref<1024x64xf32, #tpu.memory_space<vmem_shared>>) dst(%dma_wait3A_675 : memref<128x64xf32, #tpu.memory_space<vmem>>)
    %add3A_684 = arith.constant 512 : i32
    %add3A_685 = arith.addi %mul3A_2, %add3A_684 : i32
    %dma_start3A_686 = arith.constant 26 : i32
    %dma_start3A_687 = arith.constant 512 : i32
    %dma_start3A_688 = arith.constant 0 : i32
    %dma_start3A_689 = tpu.memref_slice %arg6[%dma_start3A_687, %dma_start3A_688] : memref<1024x64xf32, #tpu.memory_space<vmem>> -> memref<128x64xf32, #tpu.memory_space<vmem>>
    %dma_start3A_690 = tpu.memref_slice %arg5[%add3A_685, %mul3A_0] : memref<16384x128xf32, #tpu.memory_space<hbm>> -> memref<128x64xf32, #tpu.memory_space<hbm>>
    %dma_start3A_691 = tpu.memref_slice %arg10[%dma_start3A_686] : memref<27x!tpu.dma_semaphore, #tpu.memory_space<semaphore_mem>> -> memref<1x!tpu.dma_semaphore, #tpu.memory_space<semaphore_mem>>
    %dma_start3A_692 = tpu.memref_squeeze %dma_start3A_691 : memref<1x!tpu.dma_semaphore, #tpu.memory_space<semaphore_mem>> -> memref<!tpu.dma_semaphore, #tpu.memory_space<semaphore_mem>>
    %dma_start3A_693 = tpu.memref_slice %arg5[%add3A_685, %mul3A_0] : memref<16384x128xf32, #tpu.memory_space<hbm>> -> memref<128x64xf32, #tpu.memory_space<hbm>>
    %dma_start3A_694 = arith.constant 512 : i32
    %dma_start3A_695 = arith.constant 0 : i32
    %dma_start3A_696 = tpu.memref_slice %arg6[%dma_start3A_694, %dma_start3A_695] : memref<1024x64xf32, #tpu.memory_space<vmem>> -> memref<128x64xf32, #tpu.memory_space<vmem>>
    tpu.enqueue_dma source(%dma_start3A_696 : memref<128x64xf32, #tpu.memory_space<vmem>>) target(%dma_start3A_693 : memref<128x64xf32, #tpu.memory_space<hbm>>) target_semaphore(%dma_start3A_692 : memref<!tpu.dma_semaphore, #tpu.memory_space<semaphore_mem>>)
    %dma_wait3A_697 = arith.constant 13 : i32
    %dma_wait3A_698 = arith.constant 13 : i32
    %dma_wait3A_699 = arith.constant 640 : i32
    %dma_wait3A_700 = arith.constant 0 : i32
    %dma_wait3A_701 = tpu.memref_slice %arg6[%dma_wait3A_699, %dma_wait3A_700] : memref<1024x64xf32, #tpu.memory_space<vmem>> -> memref<128x64xf32, #tpu.memory_space<vmem>>
    %dma_wait3A_702 = arith.constant 0 : i32
    %dma_wait3A_703 = tpu.memref_slice %arg8[%dma_wait3A_697, %dma_wait3A_702] : memref<16x128xi32, #tpu.memory_space<vmem>> -> memref<1x128xi32, #tpu.memory_space<vmem>>
    %dma_wait3A_704 = tpu.memref_squeeze %dma_wait3A_703 : memref<1x128xi32, #tpu.memory_space<vmem>> -> memref<128xi32, #tpu.memory_space<vmem>>
    %dma_wait3A_705 = arith.constant 0 : i32
    %dma_wait3A_706 = arith.constant 0 : i32
    %dma_wait3A_707 = tpu.memref_slice %arg9[%dma_wait3A_705, %dma_wait3A_706] : memref<1024x64xf32, #tpu.memory_space<vmem_shared>> -> memref<1024x64xf32, #tpu.memory_space<vmem_shared>>
    %dma_wait3A_708 = tpu.memref_slice %arg10[%dma_wait3A_698] : memref<27x!tpu.dma_semaphore, #tpu.memory_space<semaphore_mem>> -> memref<1x!tpu.dma_semaphore, #tpu.memory_space<semaphore_mem>>
    %dma_wait3A_709 = tpu.memref_squeeze %dma_wait3A_708 : memref<1x!tpu.dma_semaphore, #tpu.memory_space<semaphore_mem>> -> memref<!tpu.dma_semaphore, #tpu.memory_space<semaphore_mem>>
    tpu.wait_indirect_dma semaphore(%dma_wait3A_709 : memref<!tpu.dma_semaphore, #tpu.memory_space<semaphore_mem>>) src(%dma_wait3A_707 : memref<1024x64xf32, #tpu.memory_space<vmem_shared>>) dst(%dma_wait3A_701 : memref<128x64xf32, #tpu.memory_space<vmem>>)
    %add3A_710 = arith.constant 640 : i32
    %add3A_711 = arith.addi %mul3A_2, %add3A_710 : i32
    %dma_start3A_712 = arith.constant 26 : i32
    %dma_start3A_713 = arith.constant 640 : i32
    %dma_start3A_714 = arith.constant 0 : i32
    %dma_start3A_715 = tpu.memref_slice %arg6[%dma_start3A_713, %dma_start3A_714] : memref<1024x64xf32, #tpu.memory_space<vmem>> -> memref<128x64xf32, #tpu.memory_space<vmem>>
    %dma_start3A_716 = tpu.memref_slice %arg5[%add3A_711, %mul3A_0] : memref<16384x128xf32, #tpu.memory_space<hbm>> -> memref<128x64xf32, #tpu.memory_space<hbm>>
    %dma_start3A_717 = tpu.memref_slice %arg10[%dma_start3A_712] : memref<27x!tpu.dma_semaphore, #tpu.memory_space<semaphore_mem>> -> memref<1x!tpu.dma_semaphore, #tpu.memory_space<semaphore_mem>>
    %dma_start3A_718 = tpu.memref_squeeze %dma_start3A_717 : memref<1x!tpu.dma_semaphore, #tpu.memory_space<semaphore_mem>> -> memref<!tpu.dma_semaphore, #tpu.memory_space<semaphore_mem>>
    %dma_start3A_719 = tpu.memref_slice %arg5[%add3A_711, %mul3A_0] : memref<16384x128xf32, #tpu.memory_space<hbm>> -> memref<128x64xf32, #tpu.memory_space<hbm>>
    %dma_start3A_720 = arith.constant 640 : i32
    %dma_start3A_721 = arith.constant 0 : i32
    %dma_start3A_722 = tpu.memref_slice %arg6[%dma_start3A_720, %dma_start3A_721] : memref<1024x64xf32, #tpu.memory_space<vmem>> -> memref<128x64xf32, #tpu.memory_space<vmem>>
    tpu.enqueue_dma source(%dma_start3A_722 : memref<128x64xf32, #tpu.memory_space<vmem>>) target(%dma_start3A_719 : memref<128x64xf32, #tpu.memory_space<hbm>>) target_semaphore(%dma_start3A_718 : memref<!tpu.dma_semaphore, #tpu.memory_space<semaphore_mem>>)
    %dma_wait3A_723 = arith.constant 14 : i32
    %dma_wait3A_724 = arith.constant 14 : i32
    %dma_wait3A_725 = arith.constant 768 : i32
    %dma_wait3A_726 = arith.constant 0 : i32
    %dma_wait3A_727 = tpu.memref_slice %arg6[%dma_wait3A_725, %dma_wait3A_726] : memref<1024x64xf32, #tpu.memory_space<vmem>> -> memref<128x64xf32, #tpu.memory_space<vmem>>
    %dma_wait3A_728 = arith.constant 0 : i32
    %dma_wait3A_729 = tpu.memref_slice %arg8[%dma_wait3A_723, %dma_wait3A_728] : memref<16x128xi32, #tpu.memory_space<vmem>> -> memref<1x128xi32, #tpu.memory_space<vmem>>
    %dma_wait3A_730 = tpu.memref_squeeze %dma_wait3A_729 : memref<1x128xi32, #tpu.memory_space<vmem>> -> memref<128xi32, #tpu.memory_space<vmem>>
    %dma_wait3A_731 = arith.constant 0 : i32
    %dma_wait3A_732 = arith.constant 0 : i32
    %dma_wait3A_733 = tpu.memref_slice %arg9[%dma_wait3A_731, %dma_wait3A_732] : memref<1024x64xf32, #tpu.memory_space<vmem_shared>> -> memref<1024x64xf32, #tpu.memory_space<vmem_shared>>
    %dma_wait3A_734 = tpu.memref_slice %arg10[%dma_wait3A_724] : memref<27x!tpu.dma_semaphore, #tpu.memory_space<semaphore_mem>> -> memref<1x!tpu.dma_semaphore, #tpu.memory_space<semaphore_mem>>
    %dma_wait3A_735 = tpu.memref_squeeze %dma_wait3A_734 : memref<1x!tpu.dma_semaphore, #tpu.memory_space<semaphore_mem>> -> memref<!tpu.dma_semaphore, #tpu.memory_space<semaphore_mem>>
    tpu.wait_indirect_dma semaphore(%dma_wait3A_735 : memref<!tpu.dma_semaphore, #tpu.memory_space<semaphore_mem>>) src(%dma_wait3A_733 : memref<1024x64xf32, #tpu.memory_space<vmem_shared>>) dst(%dma_wait3A_727 : memref<128x64xf32, #tpu.memory_space<vmem>>)
    %add3A_736 = arith.constant 768 : i32
    %add3A_737 = arith.addi %mul3A_2, %add3A_736 : i32
    %dma_start3A_738 = arith.constant 26 : i32
    %dma_start3A_739 = arith.constant 768 : i32
    %dma_start3A_740 = arith.constant 0 : i32
    %dma_start3A_741 = tpu.memref_slice %arg6[%dma_start3A_739, %dma_start3A_740] : memref<1024x64xf32, #tpu.memory_space<vmem>> -> memref<128x64xf32, #tpu.memory_space<vmem>>
    %dma_start3A_742 = tpu.memref_slice %arg5[%add3A_737, %mul3A_0] : memref<16384x128xf32, #tpu.memory_space<hbm>> -> memref<128x64xf32, #tpu.memory_space<hbm>>
    %dma_start3A_743 = tpu.memref_slice %arg10[%dma_start3A_738] : memref<27x!tpu.dma_semaphore, #tpu.memory_space<semaphore_mem>> -> memref<1x!tpu.dma_semaphore, #tpu.memory_space<semaphore_mem>>
    %dma_start3A_744 = tpu.memref_squeeze %dma_start3A_743 : memref<1x!tpu.dma_semaphore, #tpu.memory_space<semaphore_mem>> -> memref<!tpu.dma_semaphore, #tpu.memory_space<semaphore_mem>>
    %dma_start3A_745 = tpu.memref_slice %arg5[%add3A_737, %mul3A_0] : memref<16384x128xf32, #tpu.memory_space<hbm>> -> memref<128x64xf32, #tpu.memory_space<hbm>>
    %dma_start3A_746 = arith.constant 768 : i32
    %dma_start3A_747 = arith.constant 0 : i32
    %dma_start3A_748 = tpu.memref_slice %arg6[%dma_start3A_746, %dma_start3A_747] : memref<1024x64xf32, #tpu.memory_space<vmem>> -> memref<128x64xf32, #tpu.memory_space<vmem>>
    tpu.enqueue_dma source(%dma_start3A_748 : memref<128x64xf32, #tpu.memory_space<vmem>>) target(%dma_start3A_745 : memref<128x64xf32, #tpu.memory_space<hbm>>) target_semaphore(%dma_start3A_744 : memref<!tpu.dma_semaphore, #tpu.memory_space<semaphore_mem>>)
    %dma_wait3A_749 = arith.constant 15 : i32
    %dma_wait3A_750 = arith.constant 15 : i32
    %dma_wait3A_751 = arith.constant 896 : i32
    %dma_wait3A_752 = arith.constant 0 : i32
    %dma_wait3A_753 = tpu.memref_slice %arg6[%dma_wait3A_751, %dma_wait3A_752] : memref<1024x64xf32, #tpu.memory_space<vmem>> -> memref<128x64xf32, #tpu.memory_space<vmem>>
    %dma_wait3A_754 = arith.constant 0 : i32
    %dma_wait3A_755 = tpu.memref_slice %arg8[%dma_wait3A_749, %dma_wait3A_754] : memref<16x128xi32, #tpu.memory_space<vmem>> -> memref<1x128xi32, #tpu.memory_space<vmem>>
    %dma_wait3A_756 = tpu.memref_squeeze %dma_wait3A_755 : memref<1x128xi32, #tpu.memory_space<vmem>> -> memref<128xi32, #tpu.memory_space<vmem>>
    %dma_wait3A_757 = arith.constant 0 : i32
    %dma_wait3A_758 = arith.constant 0 : i32
    %dma_wait3A_759 = tpu.memref_slice %arg9[%dma_wait3A_757, %dma_wait3A_758] : memref<1024x64xf32, #tpu.memory_space<vmem_shared>> -> memref<1024x64xf32, #tpu.memory_space<vmem_shared>>
    %dma_wait3A_760 = tpu.memref_slice %arg10[%dma_wait3A_750] : memref<27x!tpu.dma_semaphore, #tpu.memory_space<semaphore_mem>> -> memref<1x!tpu.dma_semaphore, #tpu.memory_space<semaphore_mem>>
    %dma_wait3A_761 = tpu.memref_squeeze %dma_wait3A_760 : memref<1x!tpu.dma_semaphore, #tpu.memory_space<semaphore_mem>> -> memref<!tpu.dma_semaphore, #tpu.memory_space<semaphore_mem>>
    tpu.wait_indirect_dma semaphore(%dma_wait3A_761 : memref<!tpu.dma_semaphore, #tpu.memory_space<semaphore_mem>>) src(%dma_wait3A_759 : memref<1024x64xf32, #tpu.memory_space<vmem_shared>>) dst(%dma_wait3A_753 : memref<128x64xf32, #tpu.memory_space<vmem>>)
    %add3A_762 = arith.constant 896 : i32
    %add3A_763 = arith.addi %mul3A_2, %add3A_762 : i32
    %dma_start3A_764 = arith.constant 26 : i32
    %dma_start3A_765 = arith.constant 896 : i32
    %dma_start3A_766 = arith.constant 0 : i32
    %dma_start3A_767 = tpu.memref_slice %arg6[%dma_start3A_765, %dma_start3A_766] : memref<1024x64xf32, #tpu.memory_space<vmem>> -> memref<128x64xf32, #tpu.memory_space<vmem>>
    %dma_start3A_768 = tpu.memref_slice %arg5[%add3A_763, %mul3A_0] : memref<16384x128xf32, #tpu.memory_space<hbm>> -> memref<128x64xf32, #tpu.memory_space<hbm>>
    %dma_start3A_769 = tpu.memref_slice %arg10[%dma_start3A_764] : memref<27x!tpu.dma_semaphore, #tpu.memory_space<semaphore_mem>> -> memref<1x!tpu.dma_semaphore, #tpu.memory_space<semaphore_mem>>
    %dma_start3A_770 = tpu.memref_squeeze %dma_start3A_769 : memref<1x!tpu.dma_semaphore, #tpu.memory_space<semaphore_mem>> -> memref<!tpu.dma_semaphore, #tpu.memory_space<semaphore_mem>>
    %dma_start3A_771 = tpu.memref_slice %arg5[%add3A_763, %mul3A_0] : memref<16384x128xf32, #tpu.memory_space<hbm>> -> memref<128x64xf32, #tpu.memory_space<hbm>>
    %dma_start3A_772 = arith.constant 896 : i32
    %dma_start3A_773 = arith.constant 0 : i32
    %dma_start3A_774 = tpu.memref_slice %arg6[%dma_start3A_772, %dma_start3A_773] : memref<1024x64xf32, #tpu.memory_space<vmem>> -> memref<128x64xf32, #tpu.memory_space<vmem>>
    tpu.enqueue_dma source(%dma_start3A_774 : memref<128x64xf32, #tpu.memory_space<vmem>>) target(%dma_start3A_771 : memref<128x64xf32, #tpu.memory_space<hbm>>) target_semaphore(%dma_start3A_770 : memref<!tpu.dma_semaphore, #tpu.memory_space<semaphore_mem>>)
    %dma_wait3A_775 = arith.constant 26 : i32
    %dma_wait3A_776 = arith.constant 0 : i32
    %dma_wait3A_777 = arith.constant 0 : i32
    %dma_wait3A_778 = tpu.memref_slice %arg6[%dma_wait3A_776, %dma_wait3A_777] : memref<1024x64xf32, #tpu.memory_space<vmem>> -> memref<128x64xf32, #tpu.memory_space<vmem>>
    %dma_wait3A_779 = tpu.memref_slice %arg5[%add3A_581, %mul3A_0] : memref<16384x128xf32, #tpu.memory_space<hbm>> -> memref<128x64xf32, #tpu.memory_space<hbm>>
    %dma_wait3A_780 = tpu.memref_slice %arg10[%dma_wait3A_775] : memref<27x!tpu.dma_semaphore, #tpu.memory_space<semaphore_mem>> -> memref<1x!tpu.dma_semaphore, #tpu.memory_space<semaphore_mem>>
    %dma_wait3A_781 = tpu.memref_squeeze %dma_wait3A_780 : memref<1x!tpu.dma_semaphore, #tpu.memory_space<semaphore_mem>> -> memref<!tpu.dma_semaphore, #tpu.memory_space<semaphore_mem>>
    %dma_wait3A_782 = tpu.memref_slice %arg5[%add3A_581, %mul3A_0] : memref<16384x128xf32, #tpu.memory_space<hbm>> -> memref<128x64xf32, #tpu.memory_space<hbm>>
    %dma_wait3A_783 = arith.constant 0 : i32
    %dma_wait3A_784 = arith.constant 0 : i32
    %dma_wait3A_785 = tpu.memref_slice %arg6[%dma_wait3A_783, %dma_wait3A_784] : memref<1024x64xf32, #tpu.memory_space<vmem>> -> memref<128x64xf32, #tpu.memory_space<vmem>>
    tpu.wait_dma2 semaphore(%dma_wait3A_781 : memref<!tpu.dma_semaphore, #tpu.memory_space<semaphore_mem>>) src(%dma_wait3A_785 : memref<128x64xf32, #tpu.memory_space<vmem>>) dst(%dma_wait3A_782 : memref<128x64xf32, #tpu.memory_space<hbm>>)
    %dma_wait3A_786 = arith.constant 26 : i32
    %dma_wait3A_787 = arith.constant 128 : i32
    %dma_wait3A_788 = arith.constant 0 : i32
    %dma_wait3A_789 = tpu.memref_slice %arg6[%dma_wait3A_787, %dma_wait3A_788] : memref<1024x64xf32, #tpu.memory_space<vmem>> -> memref<128x64xf32, #tpu.memory_space<vmem>>
    %dma_wait3A_790 = tpu.memref_slice %arg5[%add3A_607, %mul3A_0] : memref<16384x128xf32, #tpu.memory_space<hbm>> -> memref<128x64xf32, #tpu.memory_space<hbm>>
    %dma_wait3A_791 = tpu.memref_slice %arg10[%dma_wait3A_786] : memref<27x!tpu.dma_semaphore, #tpu.memory_space<semaphore_mem>> -> memref<1x!tpu.dma_semaphore, #tpu.memory_space<semaphore_mem>>
    %dma_wait3A_792 = tpu.memref_squeeze %dma_wait3A_791 : memref<1x!tpu.dma_semaphore, #tpu.memory_space<semaphore_mem>> -> memref<!tpu.dma_semaphore, #tpu.memory_space<semaphore_mem>>
    %dma_wait3A_793 = tpu.memref_slice %arg5[%add3A_607, %mul3A_0] : memref<16384x128xf32, #tpu.memory_space<hbm>> -> memref<128x64xf32, #tpu.memory_space<hbm>>
    %dma_wait3A_794 = arith.constant 128 : i32
    %dma_wait3A_795 = arith.constant 0 : i32
    %dma_wait3A_796 = tpu.memref_slice %arg6[%dma_wait3A_794, %dma_wait3A_795] : memref<1024x64xf32, #tpu.memory_space<vmem>> -> memref<128x64xf32, #tpu.memory_space<vmem>>
    tpu.wait_dma2 semaphore(%dma_wait3A_792 : memref<!tpu.dma_semaphore, #tpu.memory_space<semaphore_mem>>) src(%dma_wait3A_796 : memref<128x64xf32, #tpu.memory_space<vmem>>) dst(%dma_wait3A_793 : memref<128x64xf32, #tpu.memory_space<hbm>>)
    %dma_wait3A_797 = arith.constant 26 : i32
    %dma_wait3A_798 = arith.constant 256 : i32
    %dma_wait3A_799 = arith.constant 0 : i32
    %dma_wait3A_800 = tpu.memref_slice %arg6[%dma_wait3A_798, %dma_wait3A_799] : memref<1024x64xf32, #tpu.memory_space<vmem>> -> memref<128x64xf32, #tpu.memory_space<vmem>>
    %dma_wait3A_801 = tpu.memref_slice %arg5[%add3A_633, %mul3A_0] : memref<16384x128xf32, #tpu.memory_space<hbm>> -> memref<128x64xf32, #tpu.memory_space<hbm>>
    %dma_wait3A_802 = tpu.memref_slice %arg10[%dma_wait3A_797] : memref<27x!tpu.dma_semaphore, #tpu.memory_space<semaphore_mem>> -> memref<1x!tpu.dma_semaphore, #tpu.memory_space<semaphore_mem>>
    %dma_wait3A_803 = tpu.memref_squeeze %dma_wait3A_802 : memref<1x!tpu.dma_semaphore, #tpu.memory_space<semaphore_mem>> -> memref<!tpu.dma_semaphore, #tpu.memory_space<semaphore_mem>>
    %dma_wait3A_804 = tpu.memref_slice %arg5[%add3A_633, %mul3A_0] : memref<16384x128xf32, #tpu.memory_space<hbm>> -> memref<128x64xf32, #tpu.memory_space<hbm>>
    %dma_wait3A_805 = arith.constant 256 : i32
    %dma_wait3A_806 = arith.constant 0 : i32
    %dma_wait3A_807 = tpu.memref_slice %arg6[%dma_wait3A_805, %dma_wait3A_806] : memref<1024x64xf32, #tpu.memory_space<vmem>> -> memref<128x64xf32, #tpu.memory_space<vmem>>
    tpu.wait_dma2 semaphore(%dma_wait3A_803 : memref<!tpu.dma_semaphore, #tpu.memory_space<semaphore_mem>>) src(%dma_wait3A_807 : memref<128x64xf32, #tpu.memory_space<vmem>>) dst(%dma_wait3A_804 : memref<128x64xf32, #tpu.memory_space<hbm>>)
    %dma_wait3A_808 = arith.constant 26 : i32
    %dma_wait3A_809 = arith.constant 384 : i32
    %dma_wait3A_810 = arith.constant 0 : i32
    %dma_wait3A_811 = tpu.memref_slice %arg6[%dma_wait3A_809, %dma_wait3A_810] : memref<1024x64xf32, #tpu.memory_space<vmem>> -> memref<128x64xf32, #tpu.memory_space<vmem>>
    %dma_wait3A_812 = tpu.memref_slice %arg5[%add3A_659, %mul3A_0] : memref<16384x128xf32, #tpu.memory_space<hbm>> -> memref<128x64xf32, #tpu.memory_space<hbm>>
    %dma_wait3A_813 = tpu.memref_slice %arg10[%dma_wait3A_808] : memref<27x!tpu.dma_semaphore, #tpu.memory_space<semaphore_mem>> -> memref<1x!tpu.dma_semaphore, #tpu.memory_space<semaphore_mem>>
    %dma_wait3A_814 = tpu.memref_squeeze %dma_wait3A_813 : memref<1x!tpu.dma_semaphore, #tpu.memory_space<semaphore_mem>> -> memref<!tpu.dma_semaphore, #tpu.memory_space<semaphore_mem>>
    %dma_wait3A_815 = tpu.memref_slice %arg5[%add3A_659, %mul3A_0] : memref<16384x128xf32, #tpu.memory_space<hbm>> -> memref<128x64xf32, #tpu.memory_space<hbm>>
    %dma_wait3A_816 = arith.constant 384 : i32
    %dma_wait3A_817 = arith.constant 0 : i32
    %dma_wait3A_818 = tpu.memref_slice %arg6[%dma_wait3A_816, %dma_wait3A_817] : memref<1024x64xf32, #tpu.memory_space<vmem>> -> memref<128x64xf32, #tpu.memory_space<vmem>>
    tpu.wait_dma2 semaphore(%dma_wait3A_814 : memref<!tpu.dma_semaphore, #tpu.memory_space<semaphore_mem>>) src(%dma_wait3A_818 : memref<128x64xf32, #tpu.memory_space<vmem>>) dst(%dma_wait3A_815 : memref<128x64xf32, #tpu.memory_space<hbm>>)
    %dma_wait3A_819 = arith.constant 26 : i32
    %dma_wait3A_820 = arith.constant 512 : i32
    %dma_wait3A_821 = arith.constant 0 : i32
    %dma_wait3A_822 = tpu.memref_slice %arg6[%dma_wait3A_820, %dma_wait3A_821] : memref<1024x64xf32, #tpu.memory_space<vmem>> -> memref<128x64xf32, #tpu.memory_space<vmem>>
    %dma_wait3A_823 = tpu.memref_slice %arg5[%add3A_685, %mul3A_0] : memref<16384x128xf32, #tpu.memory_space<hbm>> -> memref<128x64xf32, #tpu.memory_space<hbm>>
    %dma_wait3A_824 = tpu.memref_slice %arg10[%dma_wait3A_819] : memref<27x!tpu.dma_semaphore, #tpu.memory_space<semaphore_mem>> -> memref<1x!tpu.dma_semaphore, #tpu.memory_space<semaphore_mem>>
    %dma_wait3A_825 = tpu.memref_squeeze %dma_wait3A_824 : memref<1x!tpu.dma_semaphore, #tpu.memory_space<semaphore_mem>> -> memref<!tpu.dma_semaphore, #tpu.memory_space<semaphore_mem>>
    %dma_wait3A_826 = tpu.memref_slice %arg5[%add3A_685, %mul3A_0] : memref<16384x128xf32, #tpu.memory_space<hbm>> -> memref<128x64xf32, #tpu.memory_space<hbm>>
    %dma_wait3A_827 = arith.constant 512 : i32
    %dma_wait3A_828 = arith.constant 0 : i32
    %dma_wait3A_829 = tpu.memref_slice %arg6[%dma_wait3A_827, %dma_wait3A_828] : memref<1024x64xf32, #tpu.memory_space<vmem>> -> memref<128x64xf32, #tpu.memory_space<vmem>>
    tpu.wait_dma2 semaphore(%dma_wait3A_825 : memref<!tpu.dma_semaphore, #tpu.memory_space<semaphore_mem>>) src(%dma_wait3A_829 : memref<128x64xf32, #tpu.memory_space<vmem>>) dst(%dma_wait3A_826 : memref<128x64xf32, #tpu.memory_space<hbm>>)
    %dma_wait3A_830 = arith.constant 26 : i32
    %dma_wait3A_831 = arith.constant 640 : i32
    %dma_wait3A_832 = arith.constant 0 : i32
    %dma_wait3A_833 = tpu.memref_slice %arg6[%dma_wait3A_831, %dma_wait3A_832] : memref<1024x64xf32, #tpu.memory_space<vmem>> -> memref<128x64xf32, #tpu.memory_space<vmem>>
    %dma_wait3A_834 = tpu.memref_slice %arg5[%add3A_711, %mul3A_0] : memref<16384x128xf32, #tpu.memory_space<hbm>> -> memref<128x64xf32, #tpu.memory_space<hbm>>
    %dma_wait3A_835 = tpu.memref_slice %arg10[%dma_wait3A_830] : memref<27x!tpu.dma_semaphore, #tpu.memory_space<semaphore_mem>> -> memref<1x!tpu.dma_semaphore, #tpu.memory_space<semaphore_mem>>
    %dma_wait3A_836 = tpu.memref_squeeze %dma_wait3A_835 : memref<1x!tpu.dma_semaphore, #tpu.memory_space<semaphore_mem>> -> memref<!tpu.dma_semaphore, #tpu.memory_space<semaphore_mem>>
    %dma_wait3A_837 = tpu.memref_slice %arg5[%add3A_711, %mul3A_0] : memref<16384x128xf32, #tpu.memory_space<hbm>> -> memref<128x64xf32, #tpu.memory_space<hbm>>
    %dma_wait3A_838 = arith.constant 640 : i32
    %dma_wait3A_839 = arith.constant 0 : i32
    %dma_wait3A_840 = tpu.memref_slice %arg6[%dma_wait3A_838, %dma_wait3A_839] : memref<1024x64xf32, #tpu.memory_space<vmem>> -> memref<128x64xf32, #tpu.memory_space<vmem>>
    tpu.wait_dma2 semaphore(%dma_wait3A_836 : memref<!tpu.dma_semaphore, #tpu.memory_space<semaphore_mem>>) src(%dma_wait3A_840 : memref<128x64xf32, #tpu.memory_space<vmem>>) dst(%dma_wait3A_837 : memref<128x64xf32, #tpu.memory_space<hbm>>)
    %dma_wait3A_841 = arith.constant 26 : i32
    %dma_wait3A_842 = arith.constant 768 : i32
    %dma_wait3A_843 = arith.constant 0 : i32
    %dma_wait3A_844 = tpu.memref_slice %arg6[%dma_wait3A_842, %dma_wait3A_843] : memref<1024x64xf32, #tpu.memory_space<vmem>> -> memref<128x64xf32, #tpu.memory_space<vmem>>
    %dma_wait3A_845 = tpu.memref_slice %arg5[%add3A_737, %mul3A_0] : memref<16384x128xf32, #tpu.memory_space<hbm>> -> memref<128x64xf32, #tpu.memory_space<hbm>>
    %dma_wait3A_846 = tpu.memref_slice %arg10[%dma_wait3A_841] : memref<27x!tpu.dma_semaphore, #tpu.memory_space<semaphore_mem>> -> memref<1x!tpu.dma_semaphore, #tpu.memory_space<semaphore_mem>>
    %dma_wait3A_847 = tpu.memref_squeeze %dma_wait3A_846 : memref<1x!tpu.dma_semaphore, #tpu.memory_space<semaphore_mem>> -> memref<!tpu.dma_semaphore, #tpu.memory_space<semaphore_mem>>
    %dma_wait3A_848 = tpu.memref_slice %arg5[%add3A_737, %mul3A_0] : memref<16384x128xf32, #tpu.memory_space<hbm>> -> memref<128x64xf32, #tpu.memory_space<hbm>>
    %dma_wait3A_849 = arith.constant 768 : i32
    %dma_wait3A_850 = arith.constant 0 : i32
    %dma_wait3A_851 = tpu.memref_slice %arg6[%dma_wait3A_849, %dma_wait3A_850] : memref<1024x64xf32, #tpu.memory_space<vmem>> -> memref<128x64xf32, #tpu.memory_space<vmem>>
    tpu.wait_dma2 semaphore(%dma_wait3A_847 : memref<!tpu.dma_semaphore, #tpu.memory_space<semaphore_mem>>) src(%dma_wait3A_851 : memref<128x64xf32, #tpu.memory_space<vmem>>) dst(%dma_wait3A_848 : memref<128x64xf32, #tpu.memory_space<hbm>>)
    %dma_wait3A_852 = arith.constant 26 : i32
    %dma_wait3A_853 = arith.constant 896 : i32
    %dma_wait3A_854 = arith.constant 0 : i32
    %dma_wait3A_855 = tpu.memref_slice %arg6[%dma_wait3A_853, %dma_wait3A_854] : memref<1024x64xf32, #tpu.memory_space<vmem>> -> memref<128x64xf32, #tpu.memory_space<vmem>>
    %dma_wait3A_856 = tpu.memref_slice %arg5[%add3A_763, %mul3A_0] : memref<16384x128xf32, #tpu.memory_space<hbm>> -> memref<128x64xf32, #tpu.memory_space<hbm>>
    %dma_wait3A_857 = tpu.memref_slice %arg10[%dma_wait3A_852] : memref<27x!tpu.dma_semaphore, #tpu.memory_space<semaphore_mem>> -> memref<1x!tpu.dma_semaphore, #tpu.memory_space<semaphore_mem>>
    %dma_wait3A_858 = tpu.memref_squeeze %dma_wait3A_857 : memref<1x!tpu.dma_semaphore, #tpu.memory_space<semaphore_mem>> -> memref<!tpu.dma_semaphore, #tpu.memory_space<semaphore_mem>>
    %dma_wait3A_859 = tpu.memref_slice %arg5[%add3A_763, %mul3A_0] : memref<16384x128xf32, #tpu.memory_space<hbm>> -> memref<128x64xf32, #tpu.memory_space<hbm>>
    %dma_wait3A_860 = arith.constant 896 : i32
    %dma_wait3A_861 = arith.constant 0 : i32
    %dma_wait3A_862 = tpu.memref_slice %arg6[%dma_wait3A_860, %dma_wait3A_861] : memref<1024x64xf32, #tpu.memory_space<vmem>> -> memref<128x64xf32, #tpu.memory_space<vmem>>
    tpu.wait_dma2 semaphore(%dma_wait3A_858 : memref<!tpu.dma_semaphore, #tpu.memory_space<semaphore_mem>>) src(%dma_wait3A_862 : memref<128x64xf32, #tpu.memory_space<vmem>>) dst(%dma_wait3A_859 : memref<128x64xf32, #tpu.memory_space<hbm>>)
    return
  }
}

</mosaic_0001>

<sc_bundles>
// kernel: _sc_call.3.cloned.1.call-start
scs
__scs_entry_jumppad:
0x0: {  	(pc) =	sbr.rel $0x88, $3  }
0x1: {  	(tag) =	ssettag $0x0;
	lr =	simm.s32 $0x1  }
0x2: {  	[smem:$0x3F9E] =	sst lr;
	_ =	strace $0xD0000000  }
0x3: {  	_ = 	snop  }
0x4: {  	_ = 	snop  }
0x5: {  	_ = 	snop  }
0x6: {  	_ = 	snop  }
0x7: {  	_ = 	snop  }
__scs_overlays_trampoline_lowered:
0x8: {  	[smem:$0x3FAD] =	sst s0  }
0x9: {  	[smem:$0x3FAE] =	sst s1  }
0xa: {  	[smem:$0x3FAF] =	sst s2  }
0xb: {  	[smem:$0x3FB0] =	sst s3  }
0xc: {  	[smem:$0x3FB1] =	sst s4  }
0xd: {  	[smem:$0x3FB2] =	sst s5  }
0xe: {  	[smem:$0x3FB3] =	sst s6  }
0xf: {  	[smem:$0x3FB4] =	sst s7  }
0x10: {  	[smem:$0x3FB5] =	sst s8  }
0x11: {  	[smem:$0x3FB6] =	sst s9;
	s0 =	simm.s32 @!p0 $0x0  }
0x12: {  	s1 =	sld [smem:$0x3F9C];
	s0 =	simm.s32 @p0 $0x1  }
0x13: {  	[smem:$0x3FB7] =	sst s0;
	s0 =	simm.s32 @!p1 $0x0  }
0x14: {  	s2 =	sld [smem:$0x3F9B];
	s0 =	simm.s32 @p1 $0x1  }
0x15: {  	[smem:$0x3FB8] =	sst s0;
	s0 =	simm.s32 @!p2 $0x0  }
0x16: {  	s3 =	sld [smem:$0x3FDB];
	s0 =	simm.s32 @p2 $0x1  }
0x17: {  	s4 =	simm.s32 $0x1BF5;
	[smem:$0x3FBA] =	sst s0  }
0x18: {  	s0 =	sld [smem:$0x3F9D];
	_ =	swait.ge [sflag:s4], $0x0  }
0x19: {  	s7 =	sld [smem:$0x3F9E]  }
0x1a: {  	s8 =	sadd.s32 $0xFFFFE003, lr  }
0x1b: {  	s9 =	sadd.s32 $0xFFFFFEF7, lr;
	s5 =	simm.s32 $0xFFFFFFFF;
	p2 =	slt.u32 s8, $0xFFFFF086  }
0x1c: {  	p1 =	slt.u32 s9, $0xF7A;
	s5 =	simm.s32 @!p2 $0x0  }
0x1d: {  	s5 =	simm.s32 @p1 $0x1;
	p0 =	seq.s32 s7, s2  }
0x1e: {  	s7 =	smul.u32 @!p0 $0xF7A, s2;
	p2 =	seq.s32 @!p0 s5, $0x0  }
0x1f: {  	s9 =	smul.u32 $0xF7A, s1;
	s8 =	simm.s32 @!p0 $0x1BF5;
	p2 =	por !p2, p0  }
0x20: {  	[sflag:s8] =	ssyncset.s32 @!p0 $0xFFFFF086;
	s6 =	sadd.s32 @!p0 s3, s7;
	s7 =	simm.s32 @!p0 $0x108  }
0x21: {  	s3 =	sadd.s32 s3, s9;
	s6 =	sadd.s32 @!p0 $0x88, s6;
	s7 =	simm.s32 @p2 $0x1082  }
0x22: {  	[simem:s7], [sflag:s8] =	dma.local @!p0 [hbm:s6], $0xF7A  }
0x23: {  	s9 =	sor.u32 $0xD0000000, s2;
	s6 =	simm.s32 $0x108;
	_ =	swait.ge @!p0 [sflag:s8], $0x0  }
0x24: {  	s3 =	sadd.s32 $0x88, s3;
	s6 =	simm.s32 @!p1 $0x1082;
	[sflag:s4] =	ssyncset.s32 $0xFFFFF086  }
0x25: {  	[simem:s6], [sflag:s4] =	dma.local [hbm:s3], $0xF7A  }
0x26: {  	[smem:$0x3F9E] =	sst s1;
	(tag) =	ssettag s2;
	_ =	strace s9  }
0x27: {  	s1 =	sld [smem:$0x3FAE]  }
0x28: {  	s2 =	sld [smem:$0x3FAF]  }
0x29: {  	s4 =	sld [smem:$0x3FB1]  }
0x2a: {  	p0 =	seq.s32 s5, $0x0;
	s5 =	sld [smem:$0x3FB2]  }
0x2b: {  	s6 =	sld [smem:$0x3FB3]  }
0x2c: {  	s7 =	sld [smem:$0x3FB4]  }
0x2d: {  	s3 =	simm.s32 $0x108;
	s8 =	sld [smem:$0x3FB5]  }
0x2e: {  	s3 =	simm.s32 @!p0 $0x1082;
	s9 =	sld [smem:$0x3FB6]  }
0x2f: {  	lr =	sadd.s32 s0, s3;
	s0 =	sld [smem:$0x3FAD]  }
0x30: {  	s3 =	sld [smem:$0x3FB0]  }
0x31: {  	[smem:$0x3FB9] =	sst s10  }
0x32: {  	s10 =	sld [smem:$0x3FB7];
	_ =	sdelay $0x3  }
0x33: {  	p0 =	seq.s32 s10, $0x1;
	s10 =	sld [smem:$0x3FB9];
	_ =	sdelay $0x3  }
0x34: {  	[smem:$0x3FB9] =	sst s10  }
0x35: {  	s10 =	sld [smem:$0x3FB8];
	_ =	sdelay $0x3  }
0x36: {  	p1 =	seq.s32 s10, $0x1;
	s10 =	sld [smem:$0x3FB9];
	_ =	sdelay $0x3  }
0x37: {  	[smem:$0x3FB9] =	sst s10  }
0x38: {  	s10 =	sld [smem:$0x3FBA]  }
0x39: {  	_ = 	snop;
	(pc) =	sbr.ind lr, $3  }
0x3a: {  	_ = 	snop  }
0x3b: {  	_ = 	snop  }
0x3c: {  	p2 =	seq.s32 s10, $0x1;
	s10 =	sld [smem:$0x3FB9]  }
0x3d: {  	_ =	shalt  }
0x3e: {  	_ =	shalt  }
0x3f: {  	_ =	shalt  }
0x40: {  	_ =	shalt  }
0x41: {  	_ =	shalt  }
0x42: {  	_ =	shalt  }
0x43: {  	_ =	shalt  }
0x44: {  	_ =	shalt  }
0x45: {  	_ =	shalt  }
0x46: {  	_ =	shalt  }
0x47: {  	_ =	shalt  }
0x48: {  	_ =	shalt  }
0x49: {  	_ =	shalt  }
0x4a: {  	_ =	shalt  }
0x4b: {  	_ =	shalt  }
0x4c: {  	_ =	shalt  }
0x4d: {  	_ =	shalt  }
0x4e: {  	_ =	shalt  }
0x4f: {  	_ =	shalt  }
0x50: {  	_ =	shalt  }
0x51: {  	_ =	shalt  }
0x52: {  	_ =	shalt  }
0x53: {  	_ =	shalt  }
0x54: {  	_ =	shalt  }
0x55: {  	_ =	shalt  }
0x56: {  	_ =	shalt  }
0x57: {  	_ =	shalt  }
0x58: {  	_ =	shalt  }
0x59: {  	_ =	shalt  }
0x5a: {  	_ =	shalt  }
0x5b: {  	_ =	shalt  }
0x5c: {  	_ =	shalt  }
0x5d: {  	_ =	shalt  }
0x5e: {  	_ =	shalt  }
0x5f: {  	_ =	shalt  }
0x60: {  	_ =	shalt  }
0x61: {  	_ =	shalt  }
0x62: {  	_ =	shalt  }
0x63: {  	_ =	shalt  }
0x64: {  	_ =	shalt  }
0x65: {  	_ =	shalt  }
0x66: {  	_ =	shalt  }
0x67: {  	_ =	shalt  }
0x68: {  	_ =	shalt  }
0x69: {  	_ =	shalt  }
0x6a: {  	_ =	shalt  }
0x6b: {  	_ =	shalt  }
0x6c: {  	_ =	shalt  }
0x6d: {  	_ =	shalt  }
0x6e: {  	_ =	shalt  }
0x6f: {  	_ =	shalt  }
0x70: {  	_ =	shalt  }
0x71: {  	_ =	shalt  }
0x72: {  	_ =	shalt  }
0x73: {  	_ =	shalt  }
0x74: {  	_ =	shalt  }
0x75: {  	_ =	shalt  }
0x76: {  	_ =	shalt  }
0x77: {  	_ =	shalt  }
0x78: {  	_ =	shalt  }
0x79: {  	_ =	shalt  }
0x7a: {  	_ =	shalt  }
0x7b: {  	_ =	shalt  }
0x7c: {  	_ =	shalt  }
0x7d: {  	_ =	shalt  }
0x7e: {  	_ =	shalt  }
0x7f: {  	_ =	shalt  }
0x80: {  	_ =	shalt  }
0x81: {  	_ =	shalt  }
0x82: {  	_ =	shalt  }
0x83: {  	_ =	shalt  }
0x84: {  	_ =	shalt  }
0x85: {  	_ =	shalt  }
0x86: {  	_ =	shalt  }
0x87: {  	_ =	shalt  }
.Lfunc_end0:
.L_simem_size_0:
called_computation_lowered:
.L_overlay_start_0:
0x88: {  	s2 =	sld [smem:$0x3FD9]  }
0x89: {  	s3 =	sld [smem:$0x3FFE];
	_ =	sdelay $0x1  }
0x8a: {  	s1 =	srdreg.scid  }
0x8b: {  	s0 =	sand.u32 $0x1, s1  }
0x8c: {  	s18 =	sshll.u32 s0, $0xA;
	s2 =	sadd.s32 s3, s2  }
0x8d: {  	s2 =	sadd.s32 s2, s18  }
0x8e: {  	[smem:$0x3FC5] =	sst s2  }
0x8f: {  	_ = 	snop  }
0x90: {  	s2 =	sld [smem:$0x3FC9]  }
0x91: {  	s19 =	sld [smem:$0x3FC8]  }
0x92: {  	s4 =	sld [smem:$0x3FC7]  }
0x93: {  	s5 =	sld [smem:$0x3FD0];
	(tm) =	ssettm $0x1  }
0x94: {  	s6 =	sld [smem:$0x3FFB];
	_ =	sdelay $0x3  }
0x95: {  	_ =	strace s6  }
0x96: {  	s6 =	sld [smem:$0x3FFC];
	_ =	sdelay $0x3  }
0x97: {  	_ =	strace s6  }
0x98: {  	s6 =	sld [smem:$0x3FFD];
	_ =	sdelay $0x3  }
0x99: {  	_ =	strace s6  }
0x9a: {  	_ =	strace $0x8FFFFFFF  }
0x9b: {  	s20 =	sld [smem:$0x3FDB];
	_ =	sdelay $0x1  }
0x9c: {  	s7 =	simm.s32 $_scs_section_size  }
0x9d: {  	s8 =	simm.s32 $_size__tile_overlayer_lowered;
	s9 =	simm.s32 $_tile_overlayer_lowered  }
0x9e: {  	s23 =	simm.s32 $0x1BFF;
	s22 =	sshll.u32 s9, $0x1;
	s6 =	sadd.s32 s7, s20  }
0x9f: {  	s10 =	simm.s32 $0x0;
	s21 =	sshll.u32 s8, $0x1;
	s8 =	sadd.s32 s22, s6  }
0xa0: {  	[timem:s10], [sflag:s23] =	dma.local [hbm:s8], s21  }
0xa1: {  	_ =	swait.ge [sflag:s23], s21  }
0xa2: {  	s7 =	ssub.s32 $0x0, s21;
	[sflag:s23] =	ssyncset.done $0x0  }
0xa3: {  	[sflag:s23] =	ssyncadd.s32 s7;
	_ =	sdelay $0x1  }
0xa4: {  	s24 =	simm.s32 $0x1B8B  }
0xa5: {  	_ =	swait.ge [sflag:s24], $0x1  }
0xa6: {  	[sflag:s24] =	ssyncset.done $0x0  }
0xa7: {  	s25 =	simm.s32 $0x1B8E;
	[sflag:s24] =	ssyncadd.s32 $0xFFFFFFFF  }
0xa8: {  	s26 =	simm.s32 $execute0_lowered;
	[smem:$0x3FD2] =	sst s25  }
0xa9: {  	s7 =	sshll.u32 s26, $0x1;
	_ =	strace $0x80000046;
	[dreg:$0x1] =	wrdreg $0xFFFFFFFF  }
0xaa: {  	s28 =	simm.s32 $_size_execute0_lowered;
	s6 =	sadd.s32 s6, s7;
	[dreg:$0x0] =	wrdreg $0x0  }
0xab: {  	s7 =	sshll.u32 s28, $0x1;
	[dreg:$0x2] =	wrdreg s6  }
0xac: {  	[dreg:$0x3] =	wrdreg s7  }
0xad: {  	[dreg:$0x4] =	wrdreg $0xC0  }
0xae: {  	_ =	task [dreg:s10], $0x5FFFF  }
0xaf: {  	[dreg:$0x1] =	wrdreg $0xFFFFFFFF  }
0xb0: {  	[dreg:$0x0] =	wrdreg $0x60  }
0xb1: {  	[dreg:$0x2] =	wrdreg s2  }
0xb2: {  	[dreg:$0x3] =	wrdreg s19  }
0xb3: {  	[dreg:$0x4] =	wrdreg s4  }
0xb4: {  	[dreg:$0x5] =	wrdreg s5  }
0xb5: {  	[dreg:$0x6] =	wrdreg $0x118000  }
0xb6: {  	[dreg:$0x7] =	wrdreg $0x9  }
0xb7: {  	_ =	task.clear_ibuf [dreg:s10], $0x8FFFF;
	_ =	strace $0x90000046  }
0xb8: {  	s29 =	simm.s32 $0x9;
	_ =	strace $0x80000048  }
0xb9: {  	_ =	swait.ge [sflag:s29], $0x1  }
0xba: {  	[sflag:s29] =	ssyncadd.s32 $0xFFFFFFFF  }
0xbb: {  	_ =	strace $0x90000048  }
0xbc: {  	_ =	sfence  }
0xbd: {  	s30 =	sld [smem:$0x0];
	_ =	sdelay $0x2  }
0xbe: {  	s31 =	sshll.u32 s1, $0xD;
	s1 =	sshrl.u32 s1, $0x2  }
0xbf: {  	s3 =	sand.u32 $0x4000, s31;
	s1 =	sadd.s32 s1, s30  }
0xc0: {  	s0 =	sor.u32 s3, s0;
	s1 =	sshll.u32 s1, $0x11  }
0xc1: {  	s0 =	sor.u32 s1, s0  }
0xc2: {  	s0 =	sadd.s32 $0x8F2B, s0  }
0xc3: {  	[sflag:s0] =	ssyncadd.remote.s32 $0x1  }
0xc4: {  	_ =	sfence.sel $0xFFFF  }
0xc5: {  	[dreg:$0x0] =	wrdreg $0xFFFFFFFF;
	(pc) =	sbr.abs _section_cstart, $3  }
0xc6: {  	[dreg:$0x1] =	wrdreg $0xFFFFFFFF  }
0xc7: {  	_ =	task.clear_ibuf [dreg:s10], $0x2FFFF;
	_ =	strace $0x9FFFFFFF  }
0xc8: {  	(tm) =	ssettm $0x7FFFFFFF  }
0xc9: {  	_ =	shalt  }
tec
execute0_lowered:
.L_overlay_start_1:
0x0: {  	(tag) =	ssettag $0x1  }
0x1: {  	s0 =	rddreg [dreg:$0x0]  }
0x2: {  	s3 =	rddreg [dreg:$0x1]  }
0x3: {  	s4 =	rddreg [dreg:$0x2]  }
0x4: {  	s5 =	rddreg [dreg:$0x3];
	s2 =	srdreg.scid  }
0x5: {  	s1 =	rddreg [dreg:$0x4];
	s9 =	stileid.u32  }
0x6: {  	s28 =	simm.s32 $0x80;
	s29 =	simm.s32 $0x2000;
	s30 =	simm.s32 $0x4000  }
0x7: {  	s31 =	simm.s32 $0x6000;
	s6 =	sand.u32 $0x1, s2;
	s2 =	simm.s32 $0x0  }
0x8: {  	s18 =	sshll.u32 s9, $0xE;
	s9 =	sshll.u32 s9, $0x7;
	s7 =	ssub.s32 $0x2, s6  }
0x9: {  	[smem:$0x7FF] =	sst s2;
	s6 =	sshll.u32 s6, $0x3;
	s3 =	sadd.s32 s3, s9  }
0xa: {  	s19 =	sadd.s32 s4, s9;
	_ =	strace $0x80000047;
	[dreg:$0x6] =	wrdreg s3  }
0xb: {  	s8 =	sshrl.u32 s7, $0x1;
	[dreg:$0x7] =	wrdreg s19;
	s20 =	sor.u32 s6, s18  }
0xc: {  	s7 =	ssub.s32 s7, s8;
	s21 =	sadd.s32 s0, s20;
	s22 =	sor.u32 $0x800, s20  }
0xd: {  	s8 =	sshrl.u32 s18, $0x2;
	s18 =	sadd.s32 s5, s20;
	[dreg:$0x8] =	wrdreg s21  }
0xe: {  	s6 =	sor.u32 $0x1000, s20;
	s23 =	sadd.s32 s0, s22;
	[dreg:$0x11] =	wrdreg s18  }
0xf: {  	s25 =	sor.u32 $0x1800, s20;
	s24 =	sadd.s32 s0, s6;
	[dreg:$0x9] =	wrdreg s23  }
0x10: {  	s26 =	sor.u32 $0x2000, s20;
	s10 =	sadd.s32 s0, s25;
	[dreg:$0xa] =	wrdreg s24  }
0x11: {  	s11 =	sor.u32 $0x2800, s20;
	s12 =	sadd.s32 s0, s26;
	[dreg:$0xb] =	wrdreg s10  }
0x12: {  	s15 =	sor.u32 $0x3000, s20;
	s14 =	sadd.s32 s0, s11;
	[dreg:$0xc] =	wrdreg s12  }
0x13: {  	s16 =	sor.u32 $0x3800, s20;
	s13 =	sadd.s32 s0, s15;
	[dreg:$0xd] =	wrdreg s14  }
0x14: {  	s4 =	simm.s32 $0xC000;
	s0 =	sadd.s32 s0, s16;
	[dreg:$0xe] =	wrdreg s13  }
0x15: {  	s9 =	simm.s32 $0xD;
	s17 =	sadd.s32 s8, s1;
	[dreg:$0xf] =	wrdreg s0  }
0x16: {  	s3 =	simm.s32 $0xA000;
	s19 =	sadd.s32 s5, s22;
	[dreg:$0x10] =	wrdreg s17  }
0x17: {  	s20 =	sadd.s32 s5, s6;
	s21 =	sadd.s32 s5, s25;
	[dreg:$0x12] =	wrdreg s19  }
0x18: {  	s22 =	sadd.s32 s5, s26;
	s25 =	sadd.s32 s5, s16;
	[dreg:$0x13] =	wrdreg s20  }
0x19: {  	s26 =	smax.u32 s7, $0x1;
	s16 =	simm.s32 $0x11000;
	[dreg:$0x14] =	wrdreg s21  }
0x1a: {  	s18 =	simm.s32 $0x13;
	s6 =	simm.s32 $0xA;
	[dreg:$0x15] =	wrdreg s22  }
0x1b: {  	s7 =	simm.s32 $0xB;
	s8 =	simm.s32 $0xC;
	[dreg:$0x18] =	wrdreg s25  }
0x1c: {  	s23 =	sadd.s32 s5, s11;
	s24 =	sadd.s32 s5, s15;
	[dreg:$0x19] =	wrdreg s26  }
0x1d: {  	s17 =	simm.s32 $0x11400;
	s26 =	simm.s32 $0x40;
	s0 =	simm.s32 $0x8000  }
0x1e: {  	s5 =	simm.s32 $0xE000;
	s19 =	simm.s32 $0x14;
	s20 =	simm.s32 $0x15  }
0x1f: {  	s21 =	simm.s32 $0x17;
	s25 =	simm.s32 $0x18;
	s22 =	simm.s32 $0x1A  }
0x20: {  	s10 =	simm.s32 $0xE;
	s11 =	simm.s32 $0xF;
	s12 =	simm.s32 $0x10  }
0x21: {  	s13 =	simm.s32 $0x1B;
	s14 =	simm.s32 $0x0;
	[dreg:$0x16] =	wrdreg s23  }
0x22: {  	v0 =	vimm.f32 $0.0e+00;
	[dreg:$0x17] =	wrdreg s24;
	s24 =	simm.s32 $0x16;
	s23 =	simm.s32 $0x9  }
.LBB2_1:
0x23: {  	s15 =	rddreg [dreg:$0x6]  }
0x24: {  	[tilespmem:s16], [sflag:$0x19] =	stream.linear.gather [hbm4b:s15+s2], $0x400, $0x38;
	[tilespmem:$0x12800] =	vst v63  }
0x25: {  	s16 =	rddreg [dreg:$0x7]  }
0x26: {  	[tilespmem:s17], [sflag:$0x1A] =	stream.linear.gather [hbm4b:s16+s2], $0x400, $0x38;
	[tilespmem:$0x12800] =	vst v63  }
0x27: {  	s16 =	rddreg [dreg:$0x8]  }
0x28: {  	[tilespmem:s2], [sflag:$0x1] =	stream.strided.gather [hbm4b:s16+s26], $0x2000, s28, s26, $0x38;
	[tilespmem:$0x12800] =	vst v63  }
0x29: {  	s17 =	rddreg [dreg:$0x9]  }
0x2a: {  	[tilespmem:s29], [sflag:$0x2] =	stream.strided.gather [hbm4b:s17+s26], $0x2000, s28, s26, $0x38;
	[tilespmem:$0x12800] =	vst v63  }
0x2b: {  	s16 =	rddreg [dreg:$0xa]  }
0x2c: {  	[tilespmem:s30], [sflag:$0x3] =	stream.strided.gather [hbm4b:s16+s26], $0x2000, s28, s26, $0x38;
	[tilespmem:$0x12800] =	vst v63  }
0x2d: {  	s17 =	rddreg [dreg:$0xb]  }
0x2e: {  	[tilespmem:s31], [sflag:$0x4] =	stream.strided.gather [hbm4b:s17+s26], $0x2000, s28, s26, $0x38;
	[tilespmem:$0x12800] =	vst v63  }
0x2f: {  	s16 =	rddreg [dreg:$0xc]  }
0x30: {  	[tilespmem:s0], [sflag:$0x5] =	stream.strided.gather [hbm4b:s16+s26], $0x2000, s28, s26, $0x38;
	[tilespmem:$0x12800] =	vst v63  }
0x31: {  	s17 =	rddreg [dreg:$0xd]  }
0x32: {  	[tilespmem:s3], [sflag:$0x6] =	stream.strided.gather [hbm4b:s17+s26], $0x2000, s28, s26, $0x38;
	[tilespmem:$0x12800] =	vst v63  }
0x33: {  	s16 =	rddreg [dreg:$0xe]  }
0x34: {  	[tilespmem:s4], [sflag:$0x7] =	stream.strided.gather [hbm4b:s16+s26], $0x2000, s28, s26, $0x38;
	[tilespmem:$0x12800] =	vst v63  }
0x35: {  	s15 =	simm.s32 $0x0;
	s17 =	rddreg [dreg:$0xf];
	s16 =	simm.s32 $0x100  }
0x36: {  	[tilespmem:s5], [sflag:$0x8] =	stream.strided.gather [hbm4b:s17+s26], $0x2000, s28, s26, $0x38;
	[tilespmem:$0x12800] =	vst v63  }
.LBB2_2:
0x37: {  	p0 =	sne.s32 s16, $0x3F00;
	[tilespmem:s15+$0x10030] =	vst v0;
	s17 =	smov.u32 s16;
	s16 =	sadd.s32 $0x100, s16  }
.Ltmp0:
0x38: {  	[tilespmem:s15+$0x10020] =	vst v0;
	(pc) =	sbr.rel @p0 .LBB2_2-.Ltmp0, $3  }
0x39: {  	[tilespmem:s15+$0x10000] =	vst v0  }
0x3a: {  	[tilespmem:s15+$0x10010] =	vst v0;
	_ =	sdelay $0x1  }
0x3b: {  	s15 =	sshra.s32 s17, $0x2  }
0x3c: {  	[tilespmem:s15+$0x10030] =	vst v0  }
0x3d: {  	[tilespmem:s15+$0x10020] =	vst v0  }
0x3e: {  	[tilespmem:s15+$0x10000] =	vst v0  }
0x3f: {  	[tilespmem:s15+$0x10010] =	vst v0;
	s17 =	rddreg [dreg:$0x10];
	s16 =	simm.s32 $0x10000  }
0x40: {  	[spmem:s17] =	stream.linear.scatter [tilespmem:s16], [sflag:$0x1C], $0x1000, $0x38;
	[tilespmem:$0x12800] =	vst v63  }
0x41: {  	s16 =	simm.s32 $0x1C  }
0x42: {  	_ =	swait.ge [sflag:s16], $0x1000  }
0x43: {  	[sflag:s16] =	ssyncset.done $0x0  }
0x44: {  	s17 =	simm.s32 $0x19;
	[sflag:s16] =	ssyncadd.s32 $0xFFFFF000  }
0x45: {  	_ =	swait.ge [sflag:s17], $0x400  }
0x46: {  	[sflag:s17] =	ssyncset.done $0x0  }
0x47: {  	[sflag:s17] =	ssyncadd.s32 $0xFFFFFC00  }
0x48: {  	s16 =	simm.s32 $0x1;
	[bflag:$0x0] =	sbarrier.arrive $0xFFFF  }
0x49: {  	_ =	swait.ge [sflag:s16], $0x2000  }
0x4a: {  	[sflag:s16] =	ssyncset.done $0x0  }
0x4b: {  	s17 =	simm.s32 $0x2;
	[sflag:s16] =	ssyncadd.s32 $0xFFFFE000;
	s16 =	simm.s32 $0x11000  }
0x4c: {  	[spmem:s1] =	stream.indirect.scatter.add.f32 [tilespmem:s2], [sflag:$0x11], $0x40, s16, s28, $0xb8;
	[tilespmem:$0x12800] =	vst v63  }
0x4d: {  	_ =	swait.ge [sflag:s17], $0x2000  }
0x4e: {  	[sflag:s17] =	ssyncset.done $0x0  }
0x4f: {  	[sflag:s17] =	ssyncadd.s32 $0xFFFFE000;
	s17 =	simm.s32 $0x11080  }
0x50: {  	[spmem:s1] =	stream.indirect.scatter.add.f32 [tilespmem:s29], [sflag:$0x12], $0x40, s17, s28, $0xb8;
	[tilespmem:$0x12800] =	vst v63  }
0x51: {  	s17 =	simm.s32 $0x3  }
0x52: {  	_ =	swait.ge [sflag:s17], $0x2000  }
0x53: {  	[sflag:s17] =	ssyncset.done $0x0  }
0x54: {  	[sflag:s17] =	ssyncadd.s32 $0xFFFFE000;
	s17 =	simm.s32 $0x11100  }
0x55: {  	[spmem:s1] =	stream.indirect.scatter.add.f32 [tilespmem:s30], [sflag:$0x13], $0x40, s17, s28, $0xb8;
	[tilespmem:$0x12800] =	vst v63  }
0x56: {  	s17 =	simm.s32 $0x4  }
0x57: {  	_ =	swait.ge [sflag:s17], $0x2000  }
0x58: {  	[sflag:s17] =	ssyncset.done $0x0  }
0x59: {  	[sflag:s17] =	ssyncadd.s32 $0xFFFFE000;
	s17 =	simm.s32 $0x11180  }
0x5a: {  	[spmem:s1] =	stream.indirect.scatter.add.f32 [tilespmem:s31], [sflag:$0x14], $0x40, s17, s28, $0xb8;
	[tilespmem:$0x12800] =	vst v63  }
0x5b: {  	s17 =	simm.s32 $0x5  }
0x5c: {  	_ =	swait.ge [sflag:s17], $0x2000  }
0x5d: {  	[sflag:s17] =	ssyncset.done $0x0  }
0x5e: {  	[sflag:s17] =	ssyncadd.s32 $0xFFFFE000;
	s17 =	simm.s32 $0x11200  }
0x5f: {  	[spmem:s1] =	stream.indirect.scatter.add.f32 [tilespmem:s0], [sflag:$0x15], $0x40, s17, s28, $0xb8;
	[tilespmem:$0x12800] =	vst v63  }
0x60: {  	s17 =	simm.s32 $0x6  }
0x61: {  	_ =	swait.ge [sflag:s17], $0x2000  }
0x62: {  	[sflag:s17] =	ssyncset.done $0x0  }
0x63: {  	[sflag:s17] =	ssyncadd.s32 $0xFFFFE000;
	s17 =	simm.s32 $0x11280  }
0x64: {  	[spmem:s1] =	stream.indirect.scatter.add.f32 [tilespmem:s3], [sflag:$0x16], $0x40, s17, s28, $0xb8;
	[tilespmem:$0x12800] =	vst v63  }
0x65: {  	s17 =	simm.s32 $0x7  }
0x66: {  	_ =	swait.ge [sflag:s17], $0x2000  }
0x67: {  	[sflag:s17] =	ssyncset.done $0x0  }
0x68: {  	[sflag:s17] =	ssyncadd.s32 $0xFFFFE000;
	s17 =	simm.s32 $0x11300  }
0x69: {  	[spmem:s1] =	stream.indirect.scatter.add.f32 [tilespmem:s4], [sflag:$0x17], $0x40, s17, s28, $0xb8;
	[tilespmem:$0x12800] =	vst v63  }
0x6a: {  	s17 =	simm.s32 $0x8  }
0x6b: {  	_ =	swait.ge [sflag:s17], $0x2000  }
0x6c: {  	[sflag:s17] =	ssyncset.done $0x0  }
0x6d: {  	[sflag:s17] =	ssyncadd.s32 $0xFFFFE000;
	s17 =	simm.s32 $0x11380  }
0x6e: {  	[spmem:s1] =	stream.indirect.scatter.add.f32 [tilespmem:s5], [sflag:$0x18], $0x40, s17, s28, $0xb8;
	[tilespmem:$0x12800] =	vst v63  }
0x6f: {  	s17 =	simm.s32 $0x11  }
0x70: {  	_ =	swait.ge [sflag:s17], $0x2000  }
0x71: {  	[sflag:s17] =	ssyncset.done $0x0  }
0x72: {  	[sflag:s17] =	ssyncadd.s32 $0xFFFFE000;
	s17 =	simm.s32 $0x12  }
0x73: {  	_ =	swait.ge [sflag:s17], $0x2000  }
0x74: {  	[sflag:s17] =	ssyncset.done $0x0  }
0x75: {  	[sflag:s17] =	ssyncadd.s32 $0xFFFFE000  }
0x76: {  	_ =	swait.ge [sflag:s18], $0x2000  }
0x77: {  	[sflag:s18] =	ssyncset.done $0x0  }
0x78: {  	[sflag:s18] =	ssyncadd.s32 $0xFFFFE000  }
0x79: {  	_ =	swait.ge [sflag:s19], $0x2000  }
0x7a: {  	[sflag:s19] =	ssyncset.done $0x0  }
0x7b: {  	[sflag:s19] =	ssyncadd.s32 $0xFFFFE000  }
0x7c: {  	_ =	swait.ge [sflag:s20], $0x2000  }
0x7d: {  	[sflag:s20] =	ssyncset.done $0x0  }
0x7e: {  	[sflag:s20] =	ssyncadd.s32 $0xFFFFE000  }
0x7f: {  	_ =	swait.ge [sflag:s24], $0x2000  }
0x80: {  	[sflag:s24] =	ssyncset.done $0x0  }
0x81: {  	[sflag:s24] =	ssyncadd.s32 $0xFFFFE000  }
0x82: {  	_ =	swait.ge [sflag:s21], $0x2000  }
0x83: {  	[sflag:s21] =	ssyncset.done $0x0  }
0x84: {  	[sflag:s21] =	ssyncadd.s32 $0xFFFFE000  }
0x85: {  	_ =	swait.ge [sflag:s25], $0x2000  }
0x86: {  	[sflag:s25] =	ssyncset.done $0x0  }
0x87: {  	[sflag:s25] =	ssyncadd.s32 $0xFFFFE000  }
0x88: {  	_ =	swait.ge [sflag:s22], $0x400  }
0x89: {  	[sflag:s22] =	ssyncset.done $0x0  }
0x8a: {  	[sflag:s22] =	ssyncadd.s32 $0xFFFFFC00  }
0x8b: {  	s17 =	simm.s32 $0x11400;
	[bflag:$0x0] =	sbarrier.arrive $0xFFFF  }
0x8c: {  	[tilespmem:s2], [sflag:$0x9] =	stream.indirect.gather [spmem:s1], $0x40, s17, s28, $0xb8;
	[tilespmem:$0x12800] =	vst v63  }
0x8d: {  	s15 =	simm.s32 $0x11480  }
0x8e: {  	[tilespmem:s29], [sflag:$0xA] =	stream.indirect.gather [spmem:s1], $0x40, s15, s28, $0xb8;
	[tilespmem:$0x12800] =	vst v63  }
0x8f: {  	s15 =	simm.s32 $0x11500  }
0x90: {  	[tilespmem:s30], [sflag:$0xB] =	stream.indirect.gather [spmem:s1], $0x40, s15, s28, $0xb8;
	[tilespmem:$0x12800] =	vst v63  }
0x91: {  	s15 =	simm.s32 $0x11580  }
0x92: {  	[tilespmem:s31], [sflag:$0xC] =	stream.indirect.gather [spmem:s1], $0x40, s15, s28, $0xb8;
	[tilespmem:$0x12800] =	vst v63  }
0x93: {  	s15 =	simm.s32 $0x11600  }
0x94: {  	[tilespmem:s0], [sflag:$0xD] =	stream.indirect.gather [spmem:s1], $0x40, s15, s28, $0xb8;
	[tilespmem:$0x12800] =	vst v63  }
0x95: {  	s15 =	simm.s32 $0x11680  }
0x96: {  	[tilespmem:s3], [sflag:$0xE] =	stream.indirect.gather [spmem:s1], $0x40, s15, s28, $0xb8;
	[tilespmem:$0x12800] =	vst v63  }
0x97: {  	s15 =	simm.s32 $0x11700  }
0x98: {  	[tilespmem:s4], [sflag:$0xF] =	stream.indirect.gather [spmem:s1], $0x40, s15, s28, $0xb8;
	[tilespmem:$0x12800] =	vst v63  }
0x99: {  	s15 =	simm.s32 $0x11780  }
0x9a: {  	[tilespmem:s5], [sflag:$0x10] =	stream.indirect.gather [spmem:s1], $0x40, s15, s28, $0xb8;
	[tilespmem:$0x12800] =	vst v63  }
0x9b: {  	_ =	swait.ge [sflag:s23], $0x2000  }
0x9c: {  	[sflag:s23] =	ssyncset.done $0x0  }
0x9d: {  	s15 =	rddreg [dreg:$0x11];
	[sflag:s23] =	ssyncadd.s32 $0xFFFFE000  }
0x9e: {  	[hbm4b:s15+s26] =	stream.strided.scatter [tilespmem:s2], [sflag:$0x1B], $0x2000, s28, s26, $0x38;
	[tilespmem:$0x12800] =	vst v63  }
0x9f: {  	_ =	swait.ge [sflag:s6], $0x2000  }
0xa0: {  	[sflag:s6] =	ssyncset.done $0x0  }
0xa1: {  	s15 =	rddreg [dreg:$0x12];
	[sflag:s6] =	ssyncadd.s32 $0xFFFFE000  }
0xa2: {  	[hbm4b:s15+s26] =	stream.strided.scatter [tilespmem:s29], [sflag:$0x1B], $0x2000, s28, s26, $0x38;
	[tilespmem:$0x12800] =	vst v63  }
0xa3: {  	_ =	swait.ge [sflag:s7], $0x2000  }
0xa4: {  	[sflag:s7] =	ssyncset.done $0x0  }
0xa5: {  	s15 =	rddreg [dreg:$0x13];
	[sflag:s7] =	ssyncadd.s32 $0xFFFFE000  }
0xa6: {  	[hbm4b:s15+s26] =	stream.strided.scatter [tilespmem:s30], [sflag:$0x1B], $0x2000, s28, s26, $0x38;
	[tilespmem:$0x12800] =	vst v63  }
0xa7: {  	_ =	swait.ge [sflag:s8], $0x2000  }
0xa8: {  	[sflag:s8] =	ssyncset.done $0x0  }
0xa9: {  	s15 =	rddreg [dreg:$0x14];
	[sflag:s8] =	ssyncadd.s32 $0xFFFFE000  }
0xaa: {  	[hbm4b:s15+s26] =	stream.strided.scatter [tilespmem:s31], [sflag:$0x1B], $0x2000, s28, s26, $0x38;
	[tilespmem:$0x12800] =	vst v63  }
0xab: {  	_ =	swait.ge [sflag:s9], $0x2000  }
0xac: {  	[sflag:s9] =	ssyncset.done $0x0  }
0xad: {  	s15 =	rddreg [dreg:$0x15];
	[sflag:s9] =	ssyncadd.s32 $0xFFFFE000  }
0xae: {  	[hbm4b:s15+s26] =	stream.strided.scatter [tilespmem:s0], [sflag:$0x1B], $0x2000, s28, s26, $0x38;
	[tilespmem:$0x12800] =	vst v63  }
0xaf: {  	_ =	swait.ge [sflag:s10], $0x2000  }
0xb0: {  	[sflag:s10] =	ssyncset.done $0x0  }
0xb1: {  	s15 =	rddreg [dreg:$0x16];
	[sflag:s10] =	ssyncadd.s32 $0xFFFFE000  }
0xb2: {  	[hbm4b:s15+s26] =	stream.strided.scatter [tilespmem:s3], [sflag:$0x1B], $0x2000, s28, s26, $0x38;
	[tilespmem:$0x12800] =	vst v63  }
0xb3: {  	_ =	swait.ge [sflag:s11], $0x2000  }
0xb4: {  	[sflag:s11] =	ssyncset.done $0x0  }
0xb5: {  	s15 =	rddreg [dreg:$0x17];
	[sflag:s11] =	ssyncadd.s32 $0xFFFFE000  }
0xb6: {  	[hbm4b:s15+s26] =	stream.strided.scatter [tilespmem:s4], [sflag:$0x1B], $0x2000, s28, s26, $0x38;
	[tilespmem:$0x12800] =	vst v63  }
0xb7: {  	_ =	swait.ge [sflag:s12], $0x2000  }
0xb8: {  	[sflag:s12] =	ssyncset.done $0x0  }
0xb9: {  	s15 =	rddreg [dreg:$0x18];
	[sflag:s12] =	ssyncadd.s32 $0xFFFFE000  }
0xba: {  	[hbm4b:s15+s26] =	stream.strided.scatter [tilespmem:s5], [sflag:$0x1B], $0x2000, s28, s26, $0x38;
	[tilespmem:$0x12800] =	vst v63  }
0xbb: {  	_ =	swait.ge [sflag:s13], $0x2000  }
0xbc: {  	[sflag:s13] =	ssyncset.done $0x0  }
0xbd: {  	[sflag:s13] =	ssyncadd.s32 $0xFFFFE000  }
0xbe: {  	_ =	swait.ge [sflag:s13], $0x2000  }
0xbf: {  	[sflag:s13] =	ssyncset.done $0x0  }
0xc0: {  	[sflag:s13] =	ssyncadd.s32 $0xFFFFE000  }
0xc1: {  	_ =	swait.ge [sflag:s13], $0x2000  }
0xc2: {  	[sflag:s13] =	ssyncset.done $0x0  }
0xc3: {  	[sflag:s13] =	ssyncadd.s32 $0xFFFFE000  }
0xc4: {  	_ =	swait.ge [sflag:s13], $0x2000  }
0xc5: {  	[sflag:s13] =	ssyncset.done $0x0  }
0xc6: {  	[sflag:s13] =	ssyncadd.s32 $0xFFFFE000  }
0xc7: {  	_ =	swait.ge [sflag:s13], $0x2000  }
0xc8: {  	[sflag:s13] =	ssyncset.done $0x0  }
0xc9: {  	[sflag:s13] =	ssyncadd.s32 $0xFFFFE000  }
0xca: {  	_ =	swait.ge [sflag:s13], $0x2000  }
0xcb: {  	[sflag:s13] =	ssyncset.done $0x0  }
0xcc: {  	[sflag:s13] =	ssyncadd.s32 $0xFFFFE000  }
0xcd: {  	_ =	swait.ge [sflag:s13], $0x2000  }
0xce: {  	[sflag:s13] =	ssyncset.done $0x0  }
0xcf: {  	[sflag:s13] =	ssyncadd.s32 $0xFFFFE000  }
0xd0: {  	_ =	swait.ge [sflag:s13], $0x2000  }
0xd1: {  	s14 =	sadd.s32 $0x1, s14;
	s15 =	rddreg [dreg:$0x19]  }
0xd2: {  	p0 =	sne.s32 s14, s15  }
.Ltmp1:
0xd3: {  	_ = 	snop;
	(pc) =	sbr.rel @p0 .LBB2_1-.Ltmp1, $3  }
0xd4: {  	_ =	sdelay $0x1  }
0xd5: {  	[sflag:s13] =	ssyncset.done $0x0  }
0xd6: {  	[sflag:s13] =	ssyncadd.s32 $0xFFFFE000  }
0xd7: {  	_ =	sfence.sel $0x180000  }
0xd8: {  	[bflag:$0x0] =	sbarrier.arrive $0xFFFF  }
0xd9: {  	_ =	strace $0x90000047  }
0xda: {  	s0 =	stileid.u32;
	[bflag:$0x2] =	sbarrier.arrive $0xFFFF  }
0xdb: {  	p0 =	sne.s32 s0, $0x0;
	s0 =	rddreg [dreg:$0x5]  }
0xdc: {  	s0 =	sadd.s32 @!p0 $0x100000, s0  }
0xdd: {  	[sflag:s0] =	ssyncadd.tile.s32 @!p0 $0x1;
	_ =	shalt  }
.Lfunc_end2:
_tile_overlayer_lowered:
.L_overlay_start_2:
0xde: {  	(tag) =	ssettag $0x2  }
0xdf: {  	s0 =	rddreg [dreg:$0x0];
	s2 =	stileid.u32  }
0xe0: {  	s1 =	rddreg [dreg:$0x1];
	p0 =	sne.s32 s2, $0x0  }
0xe1: {  	s3 =	rddreg [dreg:$0x2];
	[bflag:$0x3] =	sbarrier.arrive $0xFFFF;
	s2 =	simm.s32 @!p0 $0x1C1C  }
0xe2: {  	[timem:s3], [sflag:s2] =	dma.local @!p0 [hbm:s0], s1  }
0xe3: {  	s0 =	simm.s32 @!p0 $0x1C  }
0xe4: {  	_ =	swait.ge @!p0 [sflag:s0], s1  }
0xe5: {  	s1 =	ssub.s32 @!p0 $0x0, s1;
	[sflag:s0] =	ssyncset.done @!p0 $0x0  }
0xe6: {  	[sflag:s0] =	ssyncadd.s32 @!p0 s1  }
0xe7: {  	[bflag:$0x3] =	sbarrier.arrive $0xFFFF  }
0xe8: {  	_ =	shalt  }

</sc_bundles>
